<compile_context>
chip_gen: v7x
topology: tpu7x:2x2x1
jax: 0.10.2.dev20260603
libtpu: 0.0.44.dev20260713+nightly
codegen_flags: <defaults>
</compile_context>

<pallas_src>
import functools

import jax
import jax.numpy as jnp
from jax import lax
from jax.experimental import pallas as pl
from jax.experimental.pallas import tpu as pltpu
from jax.experimental.pallas import tpu_sc as plsc

N = 10000
E = 320000
D = 128
DH = D // 2
NC = 2
NS = 16
K = 128
NBUF = 4
CH = 160
SCH = CH
E_PAD = NS * CH * K
N_PAD = 10240
RPT = N_PAD // NS


def _segsum_body(x_hbm, src_hbm, dst_hbm, out_hbm,
                 src_v, dst_v, rows_v, zbuf, agg_sh, *gsem):
    cid = lax.axis_index("c")
    sid = lax.axis_index("s")

    pltpu.sync_copy(src_hbm.at[sid], src_v)
    pltpu.sync_copy(dst_hbm.at[sid], dst_v)

    zeros16 = jnp.zeros((16,), jnp.float32)

    def _zrow(i, carry):
        for j in range(DH // 16):
            zbuf[i, pl.ds(j * 16, 16)] = zeros16
        return carry

    lax.fori_loop(0, K, _zrow, None)

    table = x_hbm.at[cid]

    def _gather(j, b, sem):
        pltpu.async_copy(table.at[src_v.at[j]], rows_v.at[b], sem)

    def _wait_gather(j, b, sem):
        pltpu.make_async_copy(table.at[src_v.at[j]], rows_v.at[b], sem).wait()

    def _scatter(j, b):
        pltpu.sync_copy(rows_v.at[b], agg_sh.at[dst_v.at[j]], add=True)

    for b in range(NBUF):
        _gather(b, b, gsem[b])

    for kk in range(RPT // K):
        pltpu.sync_copy(zbuf, agg_sh.at[pl.ds(sid * RPT + kk * K, K)])

    plsc.subcore_barrier()

    def _chunk(i, carry):
        j0 = i * NBUF
        for u in range(NBUF):
            j = j0 + u
            _wait_gather(j, u, gsem[u])
            _scatter(j, u)

            @pl.when(j + NBUF < SCH)
            def _():
                _gather(j + NBUF, u, gsem[u])

        return carry

    lax.fori_loop(0, SCH // NBUF, _chunk, None)

    plsc.subcore_barrier()

    base = sid * RPT

    @pl.when(sid < NS - 1)
    def _():
        pltpu.sync_copy(agg_sh.at[pl.ds(base, RPT)],
                        out_hbm.at[cid, pl.ds(base, RPT)])

    @pl.when(sid == NS - 1)
    def _():
        last = N - (NS - 1) * RPT
        pltpu.sync_copy(agg_sh.at[pl.ds(base, last)],
                        out_hbm.at[cid, pl.ds(base, last)])


_segsum = pl.kernel(
    _segsum_body,
    mesh=plsc.VectorSubcoreMesh(core_axis_name="c", subcore_axis_name="s"),
    out_type=jax.ShapeDtypeStruct((NC, N, DH), jnp.float32),
    scratch_types=[
        pltpu.VMEM((CH, K), jnp.int32),
        pltpu.VMEM((CH, K), jnp.int32),
        pltpu.VMEM((NBUF, K, DH), jnp.float32),
        pltpu.VMEM((K, DH), jnp.float32),
        pltpu.VMEM_SHARED((N_PAD, DH), jnp.float32),
    ] + [pltpu.SemaphoreType.DMA] * NBUF,
    compiler_params=pltpu.CompilerParams(use_tc_tiling_on_sc=False),
)


def _dense_body(p_ref, x_ref, wrel_ref, wroot_ref, b_ref, o_ref, *,
                apply_relu, split_out):
    agg = jnp.concatenate([p_ref[0], p_ref[1]], axis=1)
    acc = lax.dot(agg, wrel_ref[...], precision=lax.Precision.HIGHEST,
                  preferred_element_type=jnp.float32)
    xin = jnp.concatenate([x_ref[0], x_ref[1]], axis=1)
    acc = acc + lax.dot(xin, wroot_ref[...], precision=lax.Precision.HIGHEST,
                        preferred_element_type=jnp.float32)
    acc = acc + b_ref[...]
    if apply_relu:
        acc = jnp.maximum(acc, 0.0)
    if split_out:
        o_ref[0] = acc[:, :DH]
        o_ref[1] = acc[:, DH:]
    else:
        o_ref[...] = acc


def _make_dense(apply_relu, split_out):
    blk = 1000
    if split_out:
        out_shape = jax.ShapeDtypeStruct((NC, N, DH), jnp.float32)
        out_specs = pl.BlockSpec((NC, blk, DH), lambda i: (0, i, 0))
    else:
        out_shape = jax.ShapeDtypeStruct((N, D), jnp.float32)
        out_specs = pl.BlockSpec((blk, D), lambda i: (i, 0))
    return pl.pallas_call(
        functools.partial(_dense_body, apply_relu=apply_relu,
                          split_out=split_out),
        grid=(N // blk,),
        in_specs=[
            pl.BlockSpec((NC, blk, DH), lambda i: (0, i, 0)),
            pl.BlockSpec((NC, blk, DH), lambda i: (0, i, 0)),
            pl.BlockSpec((D, D), lambda i: (0, 0)),
            pl.BlockSpec((D, D), lambda i: (0, 0)),
            pl.BlockSpec((1, D), lambda i: (0, 0)),
        ],
        out_specs=out_specs,
        out_shape=out_shape,
    )


_dense_relu_split = _make_dense(True, True)
_dense_plain = _make_dense(False, False)


@jax.jit
def kernel(x, edge_index, W1_rel, b1, W1_root, W2_rel, b2, W2_root):
    src = edge_index[0].astype(jnp.int32)
    dst = edge_index[1].astype(jnp.int32)
    pad = E_PAD - E
    pad_src = jnp.arange(pad, dtype=jnp.int32) % N
    src_p = jnp.concatenate([src, pad_src]).reshape(NS, CH, K)
    pad_dst = N + (jnp.arange(pad, dtype=jnp.int32) % (N_PAD - N))
    dst_p = jnp.concatenate([dst, pad_dst]).reshape(NS, CH, K)

    x_split = jnp.stack([x[:, :DH], x[:, DH:]])
    p1 = _segsum(x_split, src_p, dst_p)
    h_split = _dense_relu_split(p1, x_split, W1_rel, W1_root, b1.reshape(1, D))
    p2 = _segsum(h_split, src_p, dst_p)
    out = _dense_plain(p2, h_split, W2_rel, W2_root, b2.reshape(1, D))
    return out

# --- scband reference (transcript-rebuilt; emitter-appended) ---
"""Pipeline reference for scband-gnnprocessor-86672440033638 (READ-ONLY COPY).

The authoritative reference and input builder live on the scoring server;
editing this copy changes nothing except your own understanding.
"""

import jax, jax.numpy as jnp
import numpy as np

N_NODES = 10000
N_EDGES = 320000
D_IN = 128
D_HID = 128
D_OUT = 128


def setup_inputs(seed: int = 0) -> dict:
    key = jax.random.key(seed)
    ks = jax.random.split(key, 8)
    x = jax.random.normal(ks[0], (N_NODES, D_IN), dtype=jnp.float32)
    edge_index = jax.random.randint(ks[1], (2, N_EDGES), 0, N_NODES, dtype=jnp.int64)
    s1 = 1.0 / np.sqrt(D_IN)
    s2 = 1.0 / np.sqrt(D_HID)
    W1_rel = jax.random.uniform(ks[2], (D_IN, D_HID), minval=-s1, maxval=s1, dtype=jnp.float32)
    b1 = jax.random.uniform(ks[3], (D_HID,), minval=-s1, maxval=s1, dtype=jnp.float32)
    W1_root = jax.random.uniform(ks[4], (D_IN, D_HID), minval=-s1, maxval=s1, dtype=jnp.float32)
    W2_rel = jax.random.uniform(ks[5], (D_HID, D_OUT), minval=-s2, maxval=s2, dtype=jnp.float32)
    b2 = jax.random.uniform(ks[6], (D_OUT,), minval=-s2, maxval=s2, dtype=jnp.float32)
    W2_root = jax.random.uniform(ks[7], (D_HID, D_OUT), minval=-s2, maxval=s2, dtype=jnp.float32)
    return {"x": x, "edge_index": edge_index, "W1_rel": W1_rel, "b1": b1, "W1_root": W1_root,
            "W2_rel": W2_rel, "b2": b2, "W2_root": W2_root}


def _graph_conv(x, edge_index, W_rel, b, W_root):
    # PyG GraphConv (aggr='add'): out = lin_rel(sum_{j in N(i)} x_j) + lin_root(x_i)
    src = edge_index[0]
    dst = edge_index[1]
    msgs = jnp.take(x, src, axis=0)               # gather source node features
    agg = jax.ops.segment_sum(msgs, dst, num_segments=x.shape[0])  # scatter-add to dst
    return agg @ W_rel + b + x @ W_root


def reference(x, edge_index, W1_rel, b1, W1_root, W2_rel, b2, W2_root):
    h = _graph_conv(x, edge_index, W1_rel, b1, W1_root)
    h = jax.nn.relu(h)
    out = _graph_conv(h, edge_index, W2_rel, b2, W2_root)
    return out

if __name__ == "__main__":
    import jax
    _d = setup_inputs()
    print(jax.jit(kernel)(*tuple(_d.values())))

</pallas_src>

<mosaic_0001>
#map = affine_map<(d0, d1) -> (0, 0, 0)>
module attributes {stable_mosaic.version = 14 : i64} {
  func.func @_segsum_body(%arg0: i32, %arg1: i32, %arg2: memref<2x10000x64xf32, #tpu.memory_space<hbm>>, %arg3: memref<16x160x128xi32, #tpu.memory_space<hbm>>, %arg4: memref<16x160x128xi32, #tpu.memory_space<hbm>>, %arg5: memref<2x10000x64xf32, #tpu.memory_space<hbm>>, %arg6: memref<160x128xi32, #tpu.memory_space<vmem>>, %arg7: memref<160x128xi32, #tpu.memory_space<vmem>>, %arg8: memref<4x128x64xf32, #tpu.memory_space<vmem>>, %arg9: memref<128x64xf32, #tpu.memory_space<vmem>>, %arg10: memref<10240x64xf32, #tpu.memory_space<vmem_shared>>, %arg11: memref<!tpu.dma_semaphore, #tpu.memory_space<semaphore_mem>>, %arg12: memref<!tpu.dma_semaphore, #tpu.memory_space<semaphore_mem>>, %arg13: memref<!tpu.dma_semaphore, #tpu.memory_space<semaphore_mem>>, %arg14: memref<!tpu.dma_semaphore, #tpu.memory_space<semaphore_mem>>) attributes {dimension_semantics = [#tpu.dimension_semantics<core_parallel>, #tpu.dimension_semantics<subcore_parallel>], iteration_bounds = array<i64: 2, 16>, scalar_prefetch = 0 : i64, scratch_operands = 9 : i64, tpu.core_type = #tpu.core_type<sc_vector_subcore>, window_params = [{transform_indices = #map}, {transform_indices = #map}, {transform_indices = #map}, {transform_indices = #map}]} {
    "tpu.region"() ({
      %run_scoped3A = tpu.sem_alloc : memref<!tpu.dma_semaphore, #tpu.memory_space<semaphore_mem>>
      %dma_start3A_100 = arith.constant 0 : i32
      %dma_start3A_101 = arith.constant 0 : i32
      %dma_start3A_102 = tpu.memref_slice %arg3[%arg1, %dma_start3A_100, %dma_start3A_101] : memref<16x160x128xi32, #tpu.memory_space<hbm>> -> memref<1x160x128xi32, #tpu.memory_space<hbm>>
      %dma_start3A_103 = tpu.memref_squeeze %dma_start3A_102 : memref<1x160x128xi32, #tpu.memory_space<hbm>> -> memref<160x128xi32, #tpu.memory_space<hbm>>
      %dma_start3A_104 = arith.constant 0 : i32
      %dma_start3A_105 = arith.constant 0 : i32
      %dma_start3A_106 = tpu.memref_slice %arg3[%arg1, %dma_start3A_104, %dma_start3A_105] : memref<16x160x128xi32, #tpu.memory_space<hbm>> -> memref<1x160x128xi32, #tpu.memory_space<hbm>>
      %dma_start3A_107 = tpu.memref_squeeze %dma_start3A_106 : memref<1x160x128xi32, #tpu.memory_space<hbm>> -> memref<160x128xi32, #tpu.memory_space<hbm>>
      tpu.enqueue_dma source(%dma_start3A_107 : memref<160x128xi32, #tpu.memory_space<hbm>>) target(%arg6 : memref<160x128xi32, #tpu.memory_space<vmem>>) target_semaphore(%run_scoped3A : memref<!tpu.dma_semaphore, #tpu.memory_space<semaphore_mem>>)
      %dma_wait3A = arith.constant 0 : i32
      %dma_wait3A_108 = arith.constant 0 : i32
      %dma_wait3A_109 = tpu.memref_slice %arg3[%arg1, %dma_wait3A, %dma_wait3A_108] : memref<16x160x128xi32, #tpu.memory_space<hbm>> -> memref<1x160x128xi32, #tpu.memory_space<hbm>>
      %dma_wait3A_110 = tpu.memref_squeeze %dma_wait3A_109 : memref<1x160x128xi32, #tpu.memory_space<hbm>> -> memref<160x128xi32, #tpu.memory_space<hbm>>
      %dma_wait3A_111 = arith.constant 0 : i32
      %dma_wait3A_112 = arith.constant 0 : i32
      %dma_wait3A_113 = tpu.memref_slice %arg3[%arg1, %dma_wait3A_111, %dma_wait3A_112] : memref<16x160x128xi32, #tpu.memory_space<hbm>> -> memref<1x160x128xi32, #tpu.memory_space<hbm>>
      %dma_wait3A_114 = tpu.memref_squeeze %dma_wait3A_113 : memref<1x160x128xi32, #tpu.memory_space<hbm>> -> memref<160x128xi32, #tpu.memory_space<hbm>>
      tpu.wait_dma2 semaphore(%run_scoped3A : memref<!tpu.dma_semaphore, #tpu.memory_space<semaphore_mem>>) src(%dma_wait3A_114 : memref<160x128xi32, #tpu.memory_space<hbm>>) dst(%arg6 : memref<160x128xi32, #tpu.memory_space<vmem>>)
      tpu.yield
    }) : () -> ()
    "tpu.region"() ({
      %run_scoped3A = tpu.sem_alloc : memref<!tpu.dma_semaphore, #tpu.memory_space<semaphore_mem>>
      %dma_start3A_100 = arith.constant 0 : i32
      %dma_start3A_101 = arith.constant 0 : i32
      %dma_start3A_102 = tpu.memref_slice %arg4[%arg1, %dma_start3A_100, %dma_start3A_101] : memref<16x160x128xi32, #tpu.memory_space<hbm>> -> memref<1x160x128xi32, #tpu.memory_space<hbm>>
      %dma_start3A_103 = tpu.memref_squeeze %dma_start3A_102 : memref<1x160x128xi32, #tpu.memory_space<hbm>> -> memref<160x128xi32, #tpu.memory_space<hbm>>
      %dma_start3A_104 = arith.constant 0 : i32
      %dma_start3A_105 = arith.constant 0 : i32
      %dma_start3A_106 = tpu.memref_slice %arg4[%arg1, %dma_start3A_104, %dma_start3A_105] : memref<16x160x128xi32, #tpu.memory_space<hbm>> -> memref<1x160x128xi32, #tpu.memory_space<hbm>>
      %dma_start3A_107 = tpu.memref_squeeze %dma_start3A_106 : memref<1x160x128xi32, #tpu.memory_space<hbm>> -> memref<160x128xi32, #tpu.memory_space<hbm>>
      tpu.enqueue_dma source(%dma_start3A_107 : memref<160x128xi32, #tpu.memory_space<hbm>>) target(%arg7 : memref<160x128xi32, #tpu.memory_space<vmem>>) target_semaphore(%run_scoped3A : memref<!tpu.dma_semaphore, #tpu.memory_space<semaphore_mem>>)
      %dma_wait3A = arith.constant 0 : i32
      %dma_wait3A_108 = arith.constant 0 : i32
      %dma_wait3A_109 = tpu.memref_slice %arg4[%arg1, %dma_wait3A, %dma_wait3A_108] : memref<16x160x128xi32, #tpu.memory_space<hbm>> -> memref<1x160x128xi32, #tpu.memory_space<hbm>>
      %dma_wait3A_110 = tpu.memref_squeeze %dma_wait3A_109 : memref<1x160x128xi32, #tpu.memory_space<hbm>> -> memref<160x128xi32, #tpu.memory_space<hbm>>
      %dma_wait3A_111 = arith.constant 0 : i32
      %dma_wait3A_112 = arith.constant 0 : i32
      %dma_wait3A_113 = tpu.memref_slice %arg4[%arg1, %dma_wait3A_111, %dma_wait3A_112] : memref<16x160x128xi32, #tpu.memory_space<hbm>> -> memref<1x160x128xi32, #tpu.memory_space<hbm>>
      %dma_wait3A_114 = tpu.memref_squeeze %dma_wait3A_113 : memref<1x160x128xi32, #tpu.memory_space<hbm>> -> memref<160x128xi32, #tpu.memory_space<hbm>>
      tpu.wait_dma2 semaphore(%run_scoped3A : memref<!tpu.dma_semaphore, #tpu.memory_space<semaphore_mem>>) src(%dma_wait3A_114 : memref<160x128xi32, #tpu.memory_space<hbm>>) dst(%arg7 : memref<160x128xi32, #tpu.memory_space<vmem>>)
      tpu.yield
    }) : () -> ()
    %broadcast_in_dim3A = arith.constant 0.000000e+00 : f32
    %broadcast_in_dim3A_0 = vector.broadcast %broadcast_in_dim3A : f32 to vector<16xf32>
    %scan3A = arith.constant 0 : i32
    %scan3A_1 = arith.constant 128 : i32
    %scan3A_2 = arith.addi %scan3A, %scan3A_1 : i32
    %scan3A_3 = arith.constant 1 : i32
    scf.for %scan3A_100 = %scan3A to %scan3A_2 step %scan3A_3  : i32 {
      %swap3A = arith.index_cast %scan3A_100 : i32 to index
      %swap3A_101 = arith.constant 0 : index
      %swap3A_102 = tpu.vector_load %arg9[%swap3A, %swap3A_101] {strides = array<i32>} : memref<128x64xf32, #tpu.memory_space<vmem>>, vector<1x16xf32>,
      %swap3A_103 = vector.shape_cast %swap3A_102 : vector<1x16xf32> to vector<16xf32>
      %swap3A_104 = vector.shape_cast %broadcast_in_dim3A_0 : vector<16xf32> to vector<1x16xf32>
      tpu.vector_store %arg9[%swap3A, %swap3A_101], %swap3A_104 {strides = array<i32>} : memref<128x64xf32, #tpu.memory_space<vmem>>, vector<1x16xf32>,
      %swap3A_105 = arith.index_cast %scan3A_100 : i32 to index
      %swap3A_106 = arith.constant 16 : index
      %swap3A_107 = tpu.vector_load %arg9[%swap3A_105, %swap3A_106] {strides = array<i32>} : memref<128x64xf32, #tpu.memory_space<vmem>>, vector<1x16xf32>,
      %swap3A_108 = vector.shape_cast %swap3A_107 : vector<1x16xf32> to vector<16xf32>
      %swap3A_109 = vector.shape_cast %broadcast_in_dim3A_0 : vector<16xf32> to vector<1x16xf32>
      tpu.vector_store %arg9[%swap3A_105, %swap3A_106], %swap3A_109 {strides = array<i32>} : memref<128x64xf32, #tpu.memory_space<vmem>>, vector<1x16xf32>,
      %swap3A_110 = arith.index_cast %scan3A_100 : i32 to index
      %swap3A_111 = arith.constant 32 : index
      %swap3A_112 = tpu.vector_load %arg9[%swap3A_110, %swap3A_111] {strides = array<i32>} : memref<128x64xf32, #tpu.memory_space<vmem>>, vector<1x16xf32>,
      %swap3A_113 = vector.shape_cast %swap3A_112 : vector<1x16xf32> to vector<16xf32>
      %swap3A_114 = vector.shape_cast %broadcast_in_dim3A_0 : vector<16xf32> to vector<1x16xf32>
      tpu.vector_store %arg9[%swap3A_110, %swap3A_111], %swap3A_114 {strides = array<i32>} : memref<128x64xf32, #tpu.memory_space<vmem>>, vector<1x16xf32>,
      %swap3A_115 = arith.index_cast %scan3A_100 : i32 to index
      %swap3A_116 = arith.constant 48 : index
      %swap3A_117 = tpu.vector_load %arg9[%swap3A_115, %swap3A_116] {strides = array<i32>} : memref<128x64xf32, #tpu.memory_space<vmem>>, vector<1x16xf32>,
      %swap3A_118 = vector.shape_cast %swap3A_117 : vector<1x16xf32> to vector<16xf32>
      %swap3A_119 = vector.shape_cast %broadcast_in_dim3A_0 : vector<16xf32> to vector<1x16xf32>
      tpu.vector_store %arg9[%swap3A_115, %swap3A_116], %swap3A_119 {strides = array<i32>} : memref<128x64xf32, #tpu.memory_space<vmem>>, vector<1x16xf32>,
    }
    %scan3A_4 = arith.constant 128 : i32
    %dma_start3A = arith.constant 0 : i32
    %dma_start3A_5 = arith.constant 0 : i32
    %dma_start3A_6 = arith.constant 0 : i32
    %dma_start3A_7 = arith.constant 0 : i32
    %dma_start3A_8 = tpu.memref_slice %arg8[%dma_start3A_5, %dma_start3A_6, %dma_start3A_7] : memref<4x128x64xf32, #tpu.memory_space<vmem>> -> memref<1x128x64xf32, #tpu.memory_space<vmem>>
    %dma_start3A_9 = tpu.memref_squeeze %dma_start3A_8 : memref<1x128x64xf32, #tpu.memory_space<vmem>> -> memref<128x64xf32, #tpu.memory_space<vmem>>
    %dma_start3A_10 = arith.constant 0 : i32
    %dma_start3A_11 = tpu.memref_slice %arg6[%dma_start3A, %dma_start3A_10] : memref<160x128xi32, #tpu.memory_space<vmem>> -> memref<1x128xi32, #tpu.memory_space<vmem>>
    %dma_start3A_12 = tpu.memref_squeeze %dma_start3A_11 : memref<1x128xi32, #tpu.memory_space<vmem>> -> memref<128xi32, #tpu.memory_space<vmem>>
    %dma_start3A_13 = arith.constant 0 : i32
    %dma_start3A_14 = arith.constant 0 : i32
    %dma_start3A_15 = tpu.memref_slice %arg2[%arg0, %dma_start3A_13, %dma_start3A_14] : memref<2x10000x64xf32, #tpu.memory_space<hbm>> -> memref<1x10000x64xf32, #tpu.memory_space<hbm>>
    %dma_start3A_16 = tpu.memref_squeeze %dma_start3A_15 : memref<1x10000x64xf32, #tpu.memory_space<hbm>> -> memref<10000x64xf32, #tpu.memory_space<hbm>>
    %dma_start3A_17 = arith.constant 0 : i32
    %dma_start3A_18 = arith.constant 0 : i32
    %dma_start3A_19 = tpu.memref_slice %dma_start3A_16[%dma_start3A_17, %dma_start3A_18] : memref<10000x64xf32, #tpu.memory_space<hbm>> -> memref<10000x64xf32, #tpu.memory_space<hbm>>
    tpu.enqueue_indirect_dma source(%dma_start3A_19 : memref<10000x64xf32, #tpu.memory_space<hbm>>) target(%dma_start3A_9 : memref<128x64xf32, #tpu.memory_space<vmem>>) offsets(%dma_start3A_12 : memref<128xi32, #tpu.memory_space<vmem>>) semaphore(%arg11 : memref<!tpu.dma_semaphore, #tpu.memory_space<semaphore_mem>>)
    %dma_start3A_20 = arith.constant 1 : i32
    %dma_start3A_21 = arith.constant 1 : i32
    %dma_start3A_22 = arith.constant 0 : i32
    %dma_start3A_23 = arith.constant 0 : i32
    %dma_start3A_24 = tpu.memref_slice %arg8[%dma_start3A_21, %dma_start3A_22, %dma_start3A_23] : memref<4x128x64xf32, #tpu.memory_space<vmem>> -> memref<1x128x64xf32, #tpu.memory_space<vmem>>
    %dma_start3A_25 = tpu.memref_squeeze %dma_start3A_24 : memref<1x128x64xf32, #tpu.memory_space<vmem>> -> memref<128x64xf32, #tpu.memory_space<vmem>>
    %dma_start3A_26 = arith.constant 0 : i32
    %dma_start3A_27 = tpu.memref_slice %arg6[%dma_start3A_20, %dma_start3A_26] : memref<160x128xi32, #tpu.memory_space<vmem>> -> memref<1x128xi32, #tpu.memory_space<vmem>>
    %dma_start3A_28 = tpu.memref_squeeze %dma_start3A_27 : memref<1x128xi32, #tpu.memory_space<vmem>> -> memref<128xi32, #tpu.memory_space<vmem>>
    %dma_start3A_29 = arith.constant 0 : i32
    %dma_start3A_30 = arith.constant 0 : i32
    %dma_start3A_31 = tpu.memref_slice %arg2[%arg0, %dma_start3A_29, %dma_start3A_30] : memref<2x10000x64xf32, #tpu.memory_space<hbm>> -> memref<1x10000x64xf32, #tpu.memory_space<hbm>>
    %dma_start3A_32 = tpu.memref_squeeze %dma_start3A_31 : memref<1x10000x64xf32, #tpu.memory_space<hbm>> -> memref<10000x64xf32, #tpu.memory_space<hbm>>
    %dma_start3A_33 = arith.constant 0 : i32
    %dma_start3A_34 = arith.constant 0 : i32
    %dma_start3A_35 = tpu.memref_slice %dma_start3A_32[%dma_start3A_33, %dma_start3A_34] : memref<10000x64xf32, #tpu.memory_space<hbm>> -> memref<10000x64xf32, #tpu.memory_space<hbm>>
    tpu.enqueue_indirect_dma source(%dma_start3A_35 : memref<10000x64xf32, #tpu.memory_space<hbm>>) target(%dma_start3A_25 : memref<128x64xf32, #tpu.memory_space<vmem>>) offsets(%dma_start3A_28 : memref<128xi32, #tpu.memory_space<vmem>>) semaphore(%arg12 : memref<!tpu.dma_semaphore, #tpu.memory_space<semaphore_mem>>)
    %dma_start3A_36 = arith.constant 2 : i32
    %dma_start3A_37 = arith.constant 2 : i32
    %dma_start3A_38 = arith.constant 0 : i32
    %dma_start3A_39 = arith.constant 0 : i32
    %dma_start3A_40 = tpu.memref_slice %arg8[%dma_start3A_37, %dma_start3A_38, %dma_start3A_39] : memref<4x128x64xf32, #tpu.memory_space<vmem>> -> memref<1x128x64xf32, #tpu.memory_space<vmem>>
    %dma_start3A_41 = tpu.memref_squeeze %dma_start3A_40 : memref<1x128x64xf32, #tpu.memory_space<vmem>> -> memref<128x64xf32, #tpu.memory_space<vmem>>
    %dma_start3A_42 = arith.constant 0 : i32
    %dma_start3A_43 = tpu.memref_slice %arg6[%dma_start3A_36, %dma_start3A_42] : memref<160x128xi32, #tpu.memory_space<vmem>> -> memref<1x128xi32, #tpu.memory_space<vmem>>
    %dma_start3A_44 = tpu.memref_squeeze %dma_start3A_43 : memref<1x128xi32, #tpu.memory_space<vmem>> -> memref<128xi32, #tpu.memory_space<vmem>>
    %dma_start3A_45 = arith.constant 0 : i32
    %dma_start3A_46 = arith.constant 0 : i32
    %dma_start3A_47 = tpu.memref_slice %arg2[%arg0, %dma_start3A_45, %dma_start3A_46] : memref<2x10000x64xf32, #tpu.memory_space<hbm>> -> memref<1x10000x64xf32, #tpu.memory_space<hbm>>
    %dma_start3A_48 = tpu.memref_squeeze %dma_start3A_47 : memref<1x10000x64xf32, #tpu.memory_space<hbm>> -> memref<10000x64xf32, #tpu.memory_space<hbm>>
    %dma_start3A_49 = arith.constant 0 : i32
    %dma_start3A_50 = arith.constant 0 : i32
    %dma_start3A_51 = tpu.memref_slice %dma_start3A_48[%dma_start3A_49, %dma_start3A_50] : memref<10000x64xf32, #tpu.memory_space<hbm>> -> memref<10000x64xf32, #tpu.memory_space<hbm>>
    tpu.enqueue_indirect_dma source(%dma_start3A_51 : memref<10000x64xf32, #tpu.memory_space<hbm>>) target(%dma_start3A_41 : memref<128x64xf32, #tpu.memory_space<vmem>>) offsets(%dma_start3A_44 : memref<128xi32, #tpu.memory_space<vmem>>) semaphore(%arg13 : memref<!tpu.dma_semaphore, #tpu.memory_space<semaphore_mem>>)
    %dma_start3A_52 = arith.constant 3 : i32
    %dma_start3A_53 = arith.constant 3 : i32
    %dma_start3A_54 = arith.constant 0 : i32
    %dma_start3A_55 = arith.constant 0 : i32
    %dma_start3A_56 = tpu.memref_slice %arg8[%dma_start3A_53, %dma_start3A_54, %dma_start3A_55] : memref<4x128x64xf32, #tpu.memory_space<vmem>> -> memref<1x128x64xf32, #tpu.memory_space<vmem>>
    %dma_start3A_57 = tpu.memref_squeeze %dma_start3A_56 : memref<1x128x64xf32, #tpu.memory_space<vmem>> -> memref<128x64xf32, #tpu.memory_space<vmem>>
    %dma_start3A_58 = arith.constant 0 : i32
    %dma_start3A_59 = tpu.memref_slice %arg6[%dma_start3A_52, %dma_start3A_58] : memref<160x128xi32, #tpu.memory_space<vmem>> -> memref<1x128xi32, #tpu.memory_space<vmem>>
    %dma_start3A_60 = tpu.memref_squeeze %dma_start3A_59 : memref<1x128xi32, #tpu.memory_space<vmem>> -> memref<128xi32, #tpu.memory_space<vmem>>
    %dma_start3A_61 = arith.constant 0 : i32
    %dma_start3A_62 = arith.constant 0 : i32
    %dma_start3A_63 = tpu.memref_slice %arg2[%arg0, %dma_start3A_61, %dma_start3A_62] : memref<2x10000x64xf32, #tpu.memory_space<hbm>> -> memref<1x10000x64xf32, #tpu.memory_space<hbm>>
    %dma_start3A_64 = tpu.memref_squeeze %dma_start3A_63 : memref<1x10000x64xf32, #tpu.memory_space<hbm>> -> memref<10000x64xf32, #tpu.memory_space<hbm>>
    %dma_start3A_65 = arith.constant 0 : i32
    %dma_start3A_66 = arith.constant 0 : i32
    %dma_start3A_67 = tpu.memref_slice %dma_start3A_64[%dma_start3A_65, %dma_start3A_66] : memref<10000x64xf32, #tpu.memory_space<hbm>> -> memref<10000x64xf32, #tpu.memory_space<hbm>>
    tpu.enqueue_indirect_dma source(%dma_start3A_67 : memref<10000x64xf32, #tpu.memory_space<hbm>>) target(%dma_start3A_57 : memref<128x64xf32, #tpu.memory_space<vmem>>) offsets(%dma_start3A_60 : memref<128xi32, #tpu.memory_space<vmem>>) semaphore(%arg14 : memref<!tpu.dma_semaphore, #tpu.memory_space<semaphore_mem>>)
    %mul3A = arith.constant 640 : i32
    %mul3A_68 = arith.muli %arg1, %mul3A : i32
    %add3A = arith.constant 0 : i32
    %add3A_69 = arith.addi %mul3A_68, %add3A : i32
    "tpu.region"() ({
      %run_scoped3A = tpu.sem_alloc : memref<!tpu.dma_semaphore, #tpu.memory_space<semaphore_mem>>
      %dma_start3A_100 = arith.constant 0 : i32
      %dma_start3A_101 = tpu.memref_slice %arg10[%add3A_69, %dma_start3A_100] : memref<10240x64xf32, #tpu.memory_space<vmem_shared>> -> memref<128x64xf32, #tpu.memory_space<vmem_shared>>
      %dma_start3A_102 = arith.constant 0 : i32
      %dma_start3A_103 = tpu.memref_slice %arg10[%add3A_69, %dma_start3A_102] : memref<10240x64xf32, #tpu.memory_space<vmem_shared>> -> memref<128x64xf32, #tpu.memory_space<vmem_shared>>
      tpu.enqueue_dma source(%arg9 : memref<128x64xf32, #tpu.memory_space<vmem>>) target(%dma_start3A_103 : memref<128x64xf32, #tpu.memory_space<vmem_shared>>) target_semaphore(%run_scoped3A : memref<!tpu.dma_semaphore, #tpu.memory_space<semaphore_mem>>)
      %dma_wait3A = arith.constant 0 : i32
      %dma_wait3A_104 = tpu.memref_slice %arg10[%add3A_69, %dma_wait3A] : memref<10240x64xf32, #tpu.memory_space<vmem_shared>> -> memref<128x64xf32, #tpu.memory_space<vmem_shared>>
      %dma_wait3A_105 = arith.constant 0 : i32
      %dma_wait3A_106 = tpu.memref_slice %arg10[%add3A_69, %dma_wait3A_105] : memref<10240x64xf32, #tpu.memory_space<vmem_shared>> -> memref<128x64xf32, #tpu.memory_space<vmem_shared>>
      tpu.wait_dma2 semaphore(%run_scoped3A : memref<!tpu.dma_semaphore, #tpu.memory_space<semaphore_mem>>) src(%arg9 : memref<128x64xf32, #tpu.memory_space<vmem>>) dst(%dma_wait3A_106 : memref<128x64xf32, #tpu.memory_space<vmem_shared>>)
      tpu.yield
    }) : () -> ()
    %mul3A_70 = arith.constant 640 : i32
    %mul3A_71 = arith.muli %arg1, %mul3A_70 : i32
    %add3A_72 = arith.constant 128 : i32
    %add3A_73 = arith.addi %mul3A_71, %add3A_72 : i32
    "tpu.region"() ({
      %run_scoped3A = tpu.sem_alloc : memref<!tpu.dma_semaphore, #tpu.memory_space<semaphore_mem>>
      %dma_start3A_100 = arith.constant 0 : i32
      %dma_start3A_101 = tpu.memref_slice %arg10[%add3A_73, %dma_start3A_100] : memref<10240x64xf32, #tpu.memory_space<vmem_shared>> -> memref<128x64xf32, #tpu.memory_space<vmem_shared>>
      %dma_start3A_102 = arith.constant 0 : i32
      %dma_start3A_103 = tpu.memref_slice %arg10[%add3A_73, %dma_start3A_102] : memref<10240x64xf32, #tpu.memory_space<vmem_shared>> -> memref<128x64xf32, #tpu.memory_space<vmem_shared>>
      tpu.enqueue_dma source(%arg9 : memref<128x64xf32, #tpu.memory_space<vmem>>) target(%dma_start3A_103 : memref<128x64xf32, #tpu.memory_space<vmem_shared>>) target_semaphore(%run_scoped3A : memref<!tpu.dma_semaphore, #tpu.memory_space<semaphore_mem>>)
      %dma_wait3A = arith.constant 0 : i32
      %dma_wait3A_104 = tpu.memref_slice %arg10[%add3A_73, %dma_wait3A] : memref<10240x64xf32, #tpu.memory_space<vmem_shared>> -> memref<128x64xf32, #tpu.memory_space<vmem_shared>>
      %dma_wait3A_105 = arith.constant 0 : i32
      %dma_wait3A_106 = tpu.memref_slice %arg10[%add3A_73, %dma_wait3A_105] : memref<10240x64xf32, #tpu.memory_space<vmem_shared>> -> memref<128x64xf32, #tpu.memory_space<vmem_shared>>
      tpu.wait_dma2 semaphore(%run_scoped3A : memref<!tpu.dma_semaphore, #tpu.memory_space<semaphore_mem>>) src(%arg9 : memref<128x64xf32, #tpu.memory_space<vmem>>) dst(%dma_wait3A_106 : memref<128x64xf32, #tpu.memory_space<vmem_shared>>)
      tpu.yield
    }) : () -> ()
    %mul3A_74 = arith.constant 640 : i32
    %mul3A_75 = arith.muli %arg1, %mul3A_74 : i32
    %add3A_76 = arith.constant 256 : i32
    %add3A_77 = arith.addi %mul3A_75, %add3A_76 : i32
    "tpu.region"() ({
      %run_scoped3A = tpu.sem_alloc : memref<!tpu.dma_semaphore, #tpu.memory_space<semaphore_mem>>
      %dma_start3A_100 = arith.constant 0 : i32
      %dma_start3A_101 = tpu.memref_slice %arg10[%add3A_77, %dma_start3A_100] : memref<10240x64xf32, #tpu.memory_space<vmem_shared>> -> memref<128x64xf32, #tpu.memory_space<vmem_shared>>
      %dma_start3A_102 = arith.constant 0 : i32
      %dma_start3A_103 = tpu.memref_slice %arg10[%add3A_77, %dma_start3A_102] : memref<10240x64xf32, #tpu.memory_space<vmem_shared>> -> memref<128x64xf32, #tpu.memory_space<vmem_shared>>
      tpu.enqueue_dma source(%arg9 : memref<128x64xf32, #tpu.memory_space<vmem>>) target(%dma_start3A_103 : memref<128x64xf32, #tpu.memory_space<vmem_shared>>) target_semaphore(%run_scoped3A : memref<!tpu.dma_semaphore, #tpu.memory_space<semaphore_mem>>)
      %dma_wait3A = arith.constant 0 : i32
      %dma_wait3A_104 = tpu.memref_slice %arg10[%add3A_77, %dma_wait3A] : memref<10240x64xf32, #tpu.memory_space<vmem_shared>> -> memref<128x64xf32, #tpu.memory_space<vmem_shared>>
      %dma_wait3A_105 = arith.constant 0 : i32
      %dma_wait3A_106 = tpu.memref_slice %arg10[%add3A_77, %dma_wait3A_105] : memref<10240x64xf32, #tpu.memory_space<vmem_shared>> -> memref<128x64xf32, #tpu.memory_space<vmem_shared>>
      tpu.wait_dma2 semaphore(%run_scoped3A : memref<!tpu.dma_semaphore, #tpu.memory_space<semaphore_mem>>) src(%arg9 : memref<128x64xf32, #tpu.memory_space<vmem>>) dst(%dma_wait3A_106 : memref<128x64xf32, #tpu.memory_space<vmem_shared>>)
      tpu.yield
    }) : () -> ()
    %mul3A_78 = arith.constant 640 : i32
    %mul3A_79 = arith.muli %arg1, %mul3A_78 : i32
    %add3A_80 = arith.constant 384 : i32
    %add3A_81 = arith.addi %mul3A_79, %add3A_80 : i32
    "tpu.region"() ({
      %run_scoped3A = tpu.sem_alloc : memref<!tpu.dma_semaphore, #tpu.memory_space<semaphore_mem>>
      %dma_start3A_100 = arith.constant 0 : i32
      %dma_start3A_101 = tpu.memref_slice %arg10[%add3A_81, %dma_start3A_100] : memref<10240x64xf32, #tpu.memory_space<vmem_shared>> -> memref<128x64xf32, #tpu.memory_space<vmem_shared>>
      %dma_start3A_102 = arith.constant 0 : i32
      %dma_start3A_103 = tpu.memref_slice %arg10[%add3A_81, %dma_start3A_102] : memref<10240x64xf32, #tpu.memory_space<vmem_shared>> -> memref<128x64xf32, #tpu.memory_space<vmem_shared>>
      tpu.enqueue_dma source(%arg9 : memref<128x64xf32, #tpu.memory_space<vmem>>) target(%dma_start3A_103 : memref<128x64xf32, #tpu.memory_space<vmem_shared>>) target_semaphore(%run_scoped3A : memref<!tpu.dma_semaphore, #tpu.memory_space<semaphore_mem>>)
      %dma_wait3A = arith.constant 0 : i32
      %dma_wait3A_104 = tpu.memref_slice %arg10[%add3A_81, %dma_wait3A] : memref<10240x64xf32, #tpu.memory_space<vmem_shared>> -> memref<128x64xf32, #tpu.memory_space<vmem_shared>>
      %dma_wait3A_105 = arith.constant 0 : i32
      %dma_wait3A_106 = tpu.memref_slice %arg10[%add3A_81, %dma_wait3A_105] : memref<10240x64xf32, #tpu.memory_space<vmem_shared>> -> memref<128x64xf32, #tpu.memory_space<vmem_shared>>
      tpu.wait_dma2 semaphore(%run_scoped3A : memref<!tpu.dma_semaphore, #tpu.memory_space<semaphore_mem>>) src(%arg9 : memref<128x64xf32, #tpu.memory_space<vmem>>) dst(%dma_wait3A_106 : memref<128x64xf32, #tpu.memory_space<vmem_shared>>)
      tpu.yield
    }) : () -> ()
    %mul3A_82 = arith.constant 640 : i32
    %mul3A_83 = arith.muli %arg1, %mul3A_82 : i32
    %add3A_84 = arith.constant 512 : i32
    %add3A_85 = arith.addi %mul3A_83, %add3A_84 : i32
    "tpu.region"() ({
      %run_scoped3A = tpu.sem_alloc : memref<!tpu.dma_semaphore, #tpu.memory_space<semaphore_mem>>
      %dma_start3A_100 = arith.constant 0 : i32
      %dma_start3A_101 = tpu.memref_slice %arg10[%add3A_85, %dma_start3A_100] : memref<10240x64xf32, #tpu.memory_space<vmem_shared>> -> memref<128x64xf32, #tpu.memory_space<vmem_shared>>
      %dma_start3A_102 = arith.constant 0 : i32
      %dma_start3A_103 = tpu.memref_slice %arg10[%add3A_85, %dma_start3A_102] : memref<10240x64xf32, #tpu.memory_space<vmem_shared>> -> memref<128x64xf32, #tpu.memory_space<vmem_shared>>
      tpu.enqueue_dma source(%arg9 : memref<128x64xf32, #tpu.memory_space<vmem>>) target(%dma_start3A_103 : memref<128x64xf32, #tpu.memory_space<vmem_shared>>) target_semaphore(%run_scoped3A : memref<!tpu.dma_semaphore, #tpu.memory_space<semaphore_mem>>)
      %dma_wait3A = arith.constant 0 : i32
      %dma_wait3A_104 = tpu.memref_slice %arg10[%add3A_85, %dma_wait3A] : memref<10240x64xf32, #tpu.memory_space<vmem_shared>> -> memref<128x64xf32, #tpu.memory_space<vmem_shared>>
      %dma_wait3A_105 = arith.constant 0 : i32
      %dma_wait3A_106 = tpu.memref_slice %arg10[%add3A_85, %dma_wait3A_105] : memref<10240x64xf32, #tpu.memory_space<vmem_shared>> -> memref<128x64xf32, #tpu.memory_space<vmem_shared>>
      tpu.wait_dma2 semaphore(%run_scoped3A : memref<!tpu.dma_semaphore, #tpu.memory_space<semaphore_mem>>) src(%arg9 : memref<128x64xf32, #tpu.memory_space<vmem>>) dst(%dma_wait3A_106 : memref<128x64xf32, #tpu.memory_space<vmem_shared>>)
      tpu.yield
    }) : () -> ()
    %barrier3A = arith.constant 0 : index
    tpu.barrier barrier_id(%barrier3A)
    %scan3A_86 = arith.constant 0 : i32
    %scan3A_87 = arith.constant 40 : i32
    %scan3A_88 = arith.addi %scan3A_86, %scan3A_87 : i32
    %scan3A_89 = arith.constant 1 : i32
    scf.for %scan3A_100 = %scan3A_86 to %scan3A_88 step %scan3A_89  : i32 {
      %mul3A_101 = arith.constant 4 : i32
      %mul3A_102 = arith.muli %scan3A_100, %mul3A_101 : i32
      %add3A_103 = arith.constant 0 : i32
      %add3A_104 = arith.addi %mul3A_102, %add3A_103 : i32
      %dma_wait3A = arith.constant 0 : i32
      %dma_wait3A_105 = arith.constant 0 : i32
      %dma_wait3A_106 = arith.constant 0 : i32
      %dma_wait3A_107 = tpu.memref_slice %arg8[%dma_wait3A, %dma_wait3A_105, %dma_wait3A_106] : memref<4x128x64xf32, #tpu.memory_space<vmem>> -> memref<1x128x64xf32, #tpu.memory_space<vmem>>
      %dma_wait3A_108 = tpu.memref_squeeze %dma_wait3A_107 : memref<1x128x64xf32, #tpu.memory_space<vmem>> -> memref<128x64xf32, #tpu.memory_space<vmem>>
      %dma_wait3A_109 = arith.constant 0 : i32
      %dma_wait3A_110 = tpu.memref_slice %arg6[%add3A_104, %dma_wait3A_109] : memref<160x128xi32, #tpu.memory_space<vmem>> -> memref<1x128xi32, #tpu.memory_space<vmem>>
      %dma_wait3A_111 = tpu.memref_squeeze %dma_wait3A_110 : memref<1x128xi32, #tpu.memory_space<vmem>> -> memref<128xi32, #tpu.memory_space<vmem>>
      %dma_wait3A_112 = arith.constant 0 : i32
      %dma_wait3A_113 = arith.constant 0 : i32
      %dma_wait3A_114 = tpu.memref_slice %arg2[%arg0, %dma_wait3A_112, %dma_wait3A_113] : memref<2x10000x64xf32, #tpu.memory_space<hbm>> -> memref<1x10000x64xf32, #tpu.memory_space<hbm>>
      %dma_wait3A_115 = tpu.memref_squeeze %dma_wait3A_114 : memref<1x10000x64xf32, #tpu.memory_space<hbm>> -> memref<10000x64xf32, #tpu.memory_space<hbm>>
      %dma_wait3A_116 = arith.constant 0 : i32
      %dma_wait3A_117 = arith.constant 0 : i32
      %dma_wait3A_118 = tpu.memref_slice %dma_wait3A_115[%dma_wait3A_116, %dma_wait3A_117] : memref<10000x64xf32, #tpu.memory_space<hbm>> -> memref<10000x64xf32, #tpu.memory_space<hbm>>
      tpu.wait_indirect_dma semaphore(%arg11 : memref<!tpu.dma_semaphore, #tpu.memory_space<semaphore_mem>>) src(%dma_wait3A_118 : memref<10000x64xf32, #tpu.memory_space<hbm>>) dst(%dma_wait3A_108 : memref<128x64xf32, #tpu.memory_space<vmem>>)
      %run_scoped3A = arith.constant 0 : i32
      "tpu.region"() ({
        %run_scoped3A_201 = tpu.sem_alloc : memref<!tpu.dma_semaphore, #tpu.memory_space<semaphore_mem>>
        %dma_start3A_202 = arith.constant 0 : i32
        %dma_start3A_203 = arith.constant 0 : i32
        %dma_start3A_204 = tpu.memref_slice %arg8[%run_scoped3A, %dma_start3A_202, %dma_start3A_203] : memref<4x128x64xf32, #tpu.memory_space<vmem>> -> memref<1x128x64xf32, #tpu.memory_space<vmem>>
        %dma_start3A_205 = tpu.memref_squeeze %dma_start3A_204 : memref<1x128x64xf32, #tpu.memory_space<vmem>> -> memref<128x64xf32, #tpu.memory_space<vmem>>
        %dma_start3A_206 = arith.constant 0 : i32
        %dma_start3A_207 = tpu.memref_slice %arg7[%add3A_104, %dma_start3A_206] : memref<160x128xi32, #tpu.memory_space<vmem>> -> memref<1x128xi32, #tpu.memory_space<vmem>>
        %dma_start3A_208 = tpu.memref_squeeze %dma_start3A_207 : memref<1x128xi32, #tpu.memory_space<vmem>> -> memref<128xi32, #tpu.memory_space<vmem>>
        %dma_start3A_209 = arith.constant 0 : i32
        %dma_start3A_210 = arith.constant 0 : i32
        %dma_start3A_211 = tpu.memref_slice %arg10[%dma_start3A_209, %dma_start3A_210] : memref<10240x64xf32, #tpu.memory_space<vmem_shared>> -> memref<10240x64xf32, #tpu.memory_space<vmem_shared>>
        tpu.enqueue_indirect_dma source(%dma_start3A_205 : memref<128x64xf32, #tpu.memory_space<vmem>>) target(%dma_start3A_211 : memref<10240x64xf32, #tpu.memory_space<vmem_shared>>) offsets(%dma_start3A_208 : memref<128xi32, #tpu.memory_space<vmem>>) semaphore(%run_scoped3A_201 : memref<!tpu.dma_semaphore, #tpu.memory_space<semaphore_mem>>) {add = true}
        %dma_wait3A_212 = arith.constant 0 : i32
        %dma_wait3A_213 = arith.constant 0 : i32
        %dma_wait3A_214 = tpu.memref_slice %arg8[%run_scoped3A, %dma_wait3A_212, %dma_wait3A_213] : memref<4x128x64xf32, #tpu.memory_space<vmem>> -> memref<1x128x64xf32, #tpu.memory_space<vmem>>
        %dma_wait3A_215 = tpu.memref_squeeze %dma_wait3A_214 : memref<1x128x64xf32, #tpu.memory_space<vmem>> -> memref<128x64xf32, #tpu.memory_space<vmem>>
        %dma_wait3A_216 = arith.constant 0 : i32
        %dma_wait3A_217 = tpu.memref_slice %arg7[%add3A_104, %dma_wait3A_216] : memref<160x128xi32, #tpu.memory_space<vmem>> -> memref<1x128xi32, #tpu.memory_space<vmem>>
        %dma_wait3A_218 = tpu.memref_squeeze %dma_wait3A_217 : memref<1x128xi32, #tpu.memory_space<vmem>> -> memref<128xi32, #tpu.memory_space<vmem>>
        %dma_wait3A_219 = arith.constant 0 : i32
        %dma_wait3A_220 = arith.constant 0 : i32
        %dma_wait3A_221 = tpu.memref_slice %arg10[%dma_wait3A_219, %dma_wait3A_220] : memref<10240x64xf32, #tpu.memory_space<vmem_shared>> -> memref<10240x64xf32, #tpu.memory_space<vmem_shared>>
        tpu.wait_indirect_dma semaphore(%run_scoped3A_201 : memref<!tpu.dma_semaphore, #tpu.memory_space<semaphore_mem>>) src(%dma_wait3A_215 : memref<128x64xf32, #tpu.memory_space<vmem>>) dst(%dma_wait3A_221 : memref<10240x64xf32, #tpu.memory_space<vmem_shared>>)
        tpu.yield
      }) : () -> ()
      %add3A_119 = arith.constant 4 : i32
      %add3A_120 = arith.addi %add3A_104, %add3A_119 : i32
      %lt3A_121 = arith.constant 160 : i32
      %lt3A_122 = arith.cmpi slt, %add3A_120, %lt3A_121 : i32
      %convert_element_type3A_123 = arith.extui %lt3A_122 : i1 to i32
      %cond3A_124 = arith.constant 0 : i32
      %cond3A_125 = arith.cmpi ne, %convert_element_type3A_123, %cond3A_124 : i32
      scf.if %cond3A_125 {
        %add3A_201 = arith.constant 4 : i32
        %add3A_202 = arith.addi %add3A_104, %add3A_201 : i32
        %dma_start3A_203 = arith.constant 0 : i32
        %dma_start3A_204 = arith.constant 0 : i32
        %dma_start3A_205 = arith.constant 0 : i32
        %dma_start3A_206 = tpu.memref_slice %arg8[%dma_start3A_203, %dma_start3A_204, %dma_start3A_205] : memref<4x128x64xf32, #tpu.memory_space<vmem>> -> memref<1x128x64xf32, #tpu.memory_space<vmem>>
        %dma_start3A_207 = tpu.memref_squeeze %dma_start3A_206 : memref<1x128x64xf32, #tpu.memory_space<vmem>> -> memref<128x64xf32, #tpu.memory_space<vmem>>
        %dma_start3A_208 = arith.constant 0 : i32
        %dma_start3A_209 = tpu.memref_slice %arg6[%add3A_202, %dma_start3A_208] : memref<160x128xi32, #tpu.memory_space<vmem>> -> memref<1x128xi32, #tpu.memory_space<vmem>>
        %dma_start3A_210 = tpu.memref_squeeze %dma_start3A_209 : memref<1x128xi32, #tpu.memory_space<vmem>> -> memref<128xi32, #tpu.memory_space<vmem>>
        %dma_start3A_211 = arith.constant 0 : i32
        %dma_start3A_212 = arith.constant 0 : i32
        %dma_start3A_213 = tpu.memref_slice %arg2[%arg0, %dma_start3A_211, %dma_start3A_212] : memref<2x10000x64xf32, #tpu.memory_space<hbm>> -> memref<1x10000x64xf32, #tpu.memory_space<hbm>>
        %dma_start3A_214 = tpu.memref_squeeze %dma_start3A_213 : memref<1x10000x64xf32, #tpu.memory_space<hbm>> -> memref<10000x64xf32, #tpu.memory_space<hbm>>
        %dma_start3A_215 = arith.constant 0 : i32
        %dma_start3A_216 = arith.constant 0 : i32
        %dma_start3A_217 = tpu.memref_slice %dma_start3A_214[%dma_start3A_215, %dma_start3A_216] : memref<10000x64xf32, #tpu.memory_space<hbm>> -> memref<10000x64xf32, #tpu.memory_space<hbm>>
        tpu.enqueue_indirect_dma source(%dma_start3A_217 : memref<10000x64xf32, #tpu.memory_space<hbm>>) target(%dma_start3A_207 : memref<128x64xf32, #tpu.memory_space<vmem>>) offsets(%dma_start3A_210 : memref<128xi32, #tpu.memory_space<vmem>>) semaphore(%arg11 : memref<!tpu.dma_semaphore, #tpu.memory_space<semaphore_mem>>)
      } else {
      }
      %add3A_126 = arith.constant 1 : i32
      %add3A_127 = arith.addi %mul3A_102, %add3A_126 : i32
      %dma_wait3A_128 = arith.constant 1 : i32
      %dma_wait3A_129 = arith.constant 0 : i32
      %dma_wait3A_130 = arith.constant 0 : i32
      %dma_wait3A_131 = tpu.memref_slice %arg8[%dma_wait3A_128, %dma_wait3A_129, %dma_wait3A_130] : memref<4x128x64xf32, #tpu.memory_space<vmem>> -> memref<1x128x64xf32, #tpu.memory_space<vmem>>
      %dma_wait3A_132 = tpu.memref_squeeze %dma_wait3A_131 : memref<1x128x64xf32, #tpu.memory_space<vmem>> -> memref<128x64xf32, #tpu.memory_space<vmem>>
      %dma_wait3A_133 = arith.constant 0 : i32
      %dma_wait3A_134 = tpu.memref_slice %arg6[%add3A_127, %dma_wait3A_133] : memref<160x128xi32, #tpu.memory_space<vmem>> -> memref<1x128xi32, #tpu.memory_space<vmem>>
      %dma_wait3A_135 = tpu.memref_squeeze %dma_wait3A_134 : memref<1x128xi32, #tpu.memory_space<vmem>> -> memref<128xi32, #tpu.memory_space<vmem>>
      %dma_wait3A_136 = arith.constant 0 : i32
      %dma_wait3A_137 = arith.constant 0 : i32
      %dma_wait3A_138 = tpu.memref_slice %arg2[%arg0, %dma_wait3A_136, %dma_wait3A_137] : memref<2x10000x64xf32, #tpu.memory_space<hbm>> -> memref<1x10000x64xf32, #tpu.memory_space<hbm>>
      %dma_wait3A_139 = tpu.memref_squeeze %dma_wait3A_138 : memref<1x10000x64xf32, #tpu.memory_space<hbm>> -> memref<10000x64xf32, #tpu.memory_space<hbm>>
      %dma_wait3A_140 = arith.constant 0 : i32
      %dma_wait3A_141 = arith.constant 0 : i32
      %dma_wait3A_142 = tpu.memref_slice %dma_wait3A_139[%dma_wait3A_140, %dma_wait3A_141] : memref<10000x64xf32, #tpu.memory_space<hbm>> -> memref<10000x64xf32, #tpu.memory_space<hbm>>
      tpu.wait_indirect_dma semaphore(%arg12 : memref<!tpu.dma_semaphore, #tpu.memory_space<semaphore_mem>>) src(%dma_wait3A_142 : memref<10000x64xf32, #tpu.memory_space<hbm>>) dst(%dma_wait3A_132 : memref<128x64xf32, #tpu.memory_space<vmem>>)
      %run_scoped3A_143 = arith.constant 1 : i32
      "tpu.region"() ({
        %run_scoped3A_201 = tpu.sem_alloc : memref<!tpu.dma_semaphore, #tpu.memory_space<semaphore_mem>>
        %dma_start3A_202 = arith.constant 0 : i32
        %dma_start3A_203 = arith.constant 0 : i32
        %dma_start3A_204 = tpu.memref_slice %arg8[%run_scoped3A_143, %dma_start3A_202, %dma_start3A_203] : memref<4x128x64xf32, #tpu.memory_space<vmem>> -> memref<1x128x64xf32, #tpu.memory_space<vmem>>
        %dma_start3A_205 = tpu.memref_squeeze %dma_start3A_204 : memref<1x128x64xf32, #tpu.memory_space<vmem>> -> memref<128x64xf32, #tpu.memory_space<vmem>>
        %dma_start3A_206 = arith.constant 0 : i32
        %dma_start3A_207 = tpu.memref_slice %arg7[%add3A_127, %dma_start3A_206] : memref<160x128xi32, #tpu.memory_space<vmem>> -> memref<1x128xi32, #tpu.memory_space<vmem>>
        %dma_start3A_208 = tpu.memref_squeeze %dma_start3A_207 : memref<1x128xi32, #tpu.memory_space<vmem>> -> memref<128xi32, #tpu.memory_space<vmem>>
        %dma_start3A_209 = arith.constant 0 : i32
        %dma_start3A_210 = arith.constant 0 : i32
        %dma_start3A_211 = tpu.memref_slice %arg10[%dma_start3A_209, %dma_start3A_210] : memref<10240x64xf32, #tpu.memory_space<vmem_shared>> -> memref<10240x64xf32, #tpu.memory_space<vmem_shared>>
        tpu.enqueue_indirect_dma source(%dma_start3A_205 : memref<128x64xf32, #tpu.memory_space<vmem>>) target(%dma_start3A_211 : memref<10240x64xf32, #tpu.memory_space<vmem_shared>>) offsets(%dma_start3A_208 : memref<128xi32, #tpu.memory_space<vmem>>) semaphore(%run_scoped3A_201 : memref<!tpu.dma_semaphore, #tpu.memory_space<semaphore_mem>>) {add = true}
        %dma_wait3A_212 = arith.constant 0 : i32
        %dma_wait3A_213 = arith.constant 0 : i32
        %dma_wait3A_214 = tpu.memref_slice %arg8[%run_scoped3A_143, %dma_wait3A_212, %dma_wait3A_213] : memref<4x128x64xf32, #tpu.memory_space<vmem>> -> memref<1x128x64xf32, #tpu.memory_space<vmem>>
        %dma_wait3A_215 = tpu.memref_squeeze %dma_wait3A_214 : memref<1x128x64xf32, #tpu.memory_space<vmem>> -> memref<128x64xf32, #tpu.memory_space<vmem>>
        %dma_wait3A_216 = arith.constant 0 : i32
        %dma_wait3A_217 = tpu.memref_slice %arg7[%add3A_127, %dma_wait3A_216] : memref<160x128xi32, #tpu.memory_space<vmem>> -> memref<1x128xi32, #tpu.memory_space<vmem>>
        %dma_wait3A_218 = tpu.memref_squeeze %dma_wait3A_217 : memref<1x128xi32, #tpu.memory_space<vmem>> -> memref<128xi32, #tpu.memory_space<vmem>>
        %dma_wait3A_219 = arith.constant 0 : i32
        %dma_wait3A_220 = arith.constant 0 : i32
        %dma_wait3A_221 = tpu.memref_slice %arg10[%dma_wait3A_219, %dma_wait3A_220] : memref<10240x64xf32, #tpu.memory_space<vmem_shared>> -> memref<10240x64xf32, #tpu.memory_space<vmem_shared>>
        tpu.wait_indirect_dma semaphore(%run_scoped3A_201 : memref<!tpu.dma_semaphore, #tpu.memory_space<semaphore_mem>>) src(%dma_wait3A_215 : memref<128x64xf32, #tpu.memory_space<vmem>>) dst(%dma_wait3A_221 : memref<10240x64xf32, #tpu.memory_space<vmem_shared>>)
        tpu.yield
      }) : () -> ()
      %add3A_144 = arith.constant 4 : i32
      %add3A_145 = arith.addi %add3A_127, %add3A_144 : i32
      %lt3A_146 = arith.constant 160 : i32
      %lt3A_147 = arith.cmpi slt, %add3A_145, %lt3A_146 : i32
      %convert_element_type3A_148 = arith.extui %lt3A_147 : i1 to i32
      %cond3A_149 = arith.constant 0 : i32
      %cond3A_150 = arith.cmpi ne, %convert_element_type3A_148, %cond3A_149 : i32
      scf.if %cond3A_150 {
        %add3A_201 = arith.constant 4 : i32
        %add3A_202 = arith.addi %add3A_127, %add3A_201 : i32
        %dma_start3A_203 = arith.constant 1 : i32
        %dma_start3A_204 = arith.constant 0 : i32
        %dma_start3A_205 = arith.constant 0 : i32
        %dma_start3A_206 = tpu.memref_slice %arg8[%dma_start3A_203, %dma_start3A_204, %dma_start3A_205] : memref<4x128x64xf32, #tpu.memory_space<vmem>> -> memref<1x128x64xf32, #tpu.memory_space<vmem>>
        %dma_start3A_207 = tpu.memref_squeeze %dma_start3A_206 : memref<1x128x64xf32, #tpu.memory_space<vmem>> -> memref<128x64xf32, #tpu.memory_space<vmem>>
        %dma_start3A_208 = arith.constant 0 : i32
        %dma_start3A_209 = tpu.memref_slice %arg6[%add3A_202, %dma_start3A_208] : memref<160x128xi32, #tpu.memory_space<vmem>> -> memref<1x128xi32, #tpu.memory_space<vmem>>
        %dma_start3A_210 = tpu.memref_squeeze %dma_start3A_209 : memref<1x128xi32, #tpu.memory_space<vmem>> -> memref<128xi32, #tpu.memory_space<vmem>>
        %dma_start3A_211 = arith.constant 0 : i32
        %dma_start3A_212 = arith.constant 0 : i32
        %dma_start3A_213 = tpu.memref_slice %arg2[%arg0, %dma_start3A_211, %dma_start3A_212] : memref<2x10000x64xf32, #tpu.memory_space<hbm>> -> memref<1x10000x64xf32, #tpu.memory_space<hbm>>
        %dma_start3A_214 = tpu.memref_squeeze %dma_start3A_213 : memref<1x10000x64xf32, #tpu.memory_space<hbm>> -> memref<10000x64xf32, #tpu.memory_space<hbm>>
        %dma_start3A_215 = arith.constant 0 : i32
        %dma_start3A_216 = arith.constant 0 : i32
        %dma_start3A_217 = tpu.memref_slice %dma_start3A_214[%dma_start3A_215, %dma_start3A_216] : memref<10000x64xf32, #tpu.memory_space<hbm>> -> memref<10000x64xf32, #tpu.memory_space<hbm>>
        tpu.enqueue_indirect_dma source(%dma_start3A_217 : memref<10000x64xf32, #tpu.memory_space<hbm>>) target(%dma_start3A_207 : memref<128x64xf32, #tpu.memory_space<vmem>>) offsets(%dma_start3A_210 : memref<128xi32, #tpu.memory_space<vmem>>) semaphore(%arg12 : memref<!tpu.dma_semaphore, #tpu.memory_space<semaphore_mem>>)
      } else {
      }
      %add3A_151 = arith.constant 2 : i32
      %add3A_152 = arith.addi %mul3A_102, %add3A_151 : i32
      %dma_wait3A_153 = arith.constant 2 : i32
      %dma_wait3A_154 = arith.constant 0 : i32
      %dma_wait3A_155 = arith.constant 0 : i32
      %dma_wait3A_156 = tpu.memref_slice %arg8[%dma_wait3A_153, %dma_wait3A_154, %dma_wait3A_155] : memref<4x128x64xf32, #tpu.memory_space<vmem>> -> memref<1x128x64xf32, #tpu.memory_space<vmem>>
      %dma_wait3A_157 = tpu.memref_squeeze %dma_wait3A_156 : memref<1x128x64xf32, #tpu.memory_space<vmem>> -> memref<128x64xf32, #tpu.memory_space<vmem>>
      %dma_wait3A_158 = arith.constant 0 : i32
      %dma_wait3A_159 = tpu.memref_slice %arg6[%add3A_152, %dma_wait3A_158] : memref<160x128xi32, #tpu.memory_space<vmem>> -> memref<1x128xi32, #tpu.memory_space<vmem>>
      %dma_wait3A_160 = tpu.memref_squeeze %dma_wait3A_159 : memref<1x128xi32, #tpu.memory_space<vmem>> -> memref<128xi32, #tpu.memory_space<vmem>>
      %dma_wait3A_161 = arith.constant 0 : i32
      %dma_wait3A_162 = arith.constant 0 : i32
      %dma_wait3A_163 = tpu.memref_slice %arg2[%arg0, %dma_wait3A_161, %dma_wait3A_162] : memref<2x10000x64xf32, #tpu.memory_space<hbm>> -> memref<1x10000x64xf32, #tpu.memory_space<hbm>>
      %dma_wait3A_164 = tpu.memref_squeeze %dma_wait3A_163 : memref<1x10000x64xf32, #tpu.memory_space<hbm>> -> memref<10000x64xf32, #tpu.memory_space<hbm>>
      %dma_wait3A_165 = arith.constant 0 : i32
      %dma_wait3A_166 = arith.constant 0 : i32
      %dma_wait3A_167 = tpu.memref_slice %dma_wait3A_164[%dma_wait3A_165, %dma_wait3A_166] : memref<10000x64xf32, #tpu.memory_space<hbm>> -> memref<10000x64xf32, #tpu.memory_space<hbm>>
      tpu.wait_indirect_dma semaphore(%arg13 : memref<!tpu.dma_semaphore, #tpu.memory_space<semaphore_mem>>) src(%dma_wait3A_167 : memref<10000x64xf32, #tpu.memory_space<hbm>>) dst(%dma_wait3A_157 : memref<128x64xf32, #tpu.memory_space<vmem>>)
      %run_scoped3A_168 = arith.constant 2 : i32
      "tpu.region"() ({
        %run_scoped3A_201 = tpu.sem_alloc : memref<!tpu.dma_semaphore, #tpu.memory_space<semaphore_mem>>
        %dma_start3A_202 = arith.constant 0 : i32
        %dma_start3A_203 = arith.constant 0 : i32
        %dma_start3A_204 = tpu.memref_slice %arg8[%run_scoped3A_168, %dma_start3A_202, %dma_start3A_203] : memref<4x128x64xf32, #tpu.memory_space<vmem>> -> memref<1x128x64xf32, #tpu.memory_space<vmem>>
        %dma_start3A_205 = tpu.memref_squeeze %dma_start3A_204 : memref<1x128x64xf32, #tpu.memory_space<vmem>> -> memref<128x64xf32, #tpu.memory_space<vmem>>
        %dma_start3A_206 = arith.constant 0 : i32
        %dma_start3A_207 = tpu.memref_slice %arg7[%add3A_152, %dma_start3A_206] : memref<160x128xi32, #tpu.memory_space<vmem>> -> memref<1x128xi32, #tpu.memory_space<vmem>>
        %dma_start3A_208 = tpu.memref_squeeze %dma_start3A_207 : memref<1x128xi32, #tpu.memory_space<vmem>> -> memref<128xi32, #tpu.memory_space<vmem>>
        %dma_start3A_209 = arith.constant 0 : i32
        %dma_start3A_210 = arith.constant 0 : i32
        %dma_start3A_211 = tpu.memref_slice %arg10[%dma_start3A_209, %dma_start3A_210] : memref<10240x64xf32, #tpu.memory_space<vmem_shared>> -> memref<10240x64xf32, #tpu.memory_space<vmem_shared>>
        tpu.enqueue_indirect_dma source(%dma_start3A_205 : memref<128x64xf32, #tpu.memory_space<vmem>>) target(%dma_start3A_211 : memref<10240x64xf32, #tpu.memory_space<vmem_shared>>) offsets(%dma_start3A_208 : memref<128xi32, #tpu.memory_space<vmem>>) semaphore(%run_scoped3A_201 : memref<!tpu.dma_semaphore, #tpu.memory_space<semaphore_mem>>) {add = true}
        %dma_wait3A_212 = arith.constant 0 : i32
        %dma_wait3A_213 = arith.constant 0 : i32
        %dma_wait3A_214 = tpu.memref_slice %arg8[%run_scoped3A_168, %dma_wait3A_212, %dma_wait3A_213] : memref<4x128x64xf32, #tpu.memory_space<vmem>> -> memref<1x128x64xf32, #tpu.memory_space<vmem>>
        %dma_wait3A_215 = tpu.memref_squeeze %dma_wait3A_214 : memref<1x128x64xf32, #tpu.memory_space<vmem>> -> memref<128x64xf32, #tpu.memory_space<vmem>>
        %dma_wait3A_216 = arith.constant 0 : i32
        %dma_wait3A_217 = tpu.memref_slice %arg7[%add3A_152, %dma_wait3A_216] : memref<160x128xi32, #tpu.memory_space<vmem>> -> memref<1x128xi32, #tpu.memory_space<vmem>>
        %dma_wait3A_218 = tpu.memref_squeeze %dma_wait3A_217 : memref<1x128xi32, #tpu.memory_space<vmem>> -> memref<128xi32, #tpu.memory_space<vmem>>
        %dma_wait3A_219 = arith.constant 0 : i32
        %dma_wait3A_220 = arith.constant 0 : i32
        %dma_wait3A_221 = tpu.memref_slice %arg10[%dma_wait3A_219, %dma_wait3A_220] : memref<10240x64xf32, #tpu.memory_space<vmem_shared>> -> memref<10240x64xf32, #tpu.memory_space<vmem_shared>>
        tpu.wait_indirect_dma semaphore(%run_scoped3A_201 : memref<!tpu.dma_semaphore, #tpu.memory_space<semaphore_mem>>) src(%dma_wait3A_215 : memref<128x64xf32, #tpu.memory_space<vmem>>) dst(%dma_wait3A_221 : memref<10240x64xf32, #tpu.memory_space<vmem_shared>>)
        tpu.yield
      }) : () -> ()
      %add3A_169 = arith.constant 4 : i32
      %add3A_170 = arith.addi %add3A_152, %add3A_169 : i32
      %lt3A_171 = arith.constant 160 : i32
      %lt3A_172 = arith.cmpi slt, %add3A_170, %lt3A_171 : i32
      %convert_element_type3A_173 = arith.extui %lt3A_172 : i1 to i32
      %cond3A_174 = arith.constant 0 : i32
      %cond3A_175 = arith.cmpi ne, %convert_element_type3A_173, %cond3A_174 : i32
      scf.if %cond3A_175 {
        %add3A_201 = arith.constant 4 : i32
        %add3A_202 = arith.addi %add3A_152, %add3A_201 : i32
        %dma_start3A_203 = arith.constant 2 : i32
        %dma_start3A_204 = arith.constant 0 : i32
        %dma_start3A_205 = arith.constant 0 : i32
        %dma_start3A_206 = tpu.memref_slice %arg8[%dma_start3A_203, %dma_start3A_204, %dma_start3A_205] : memref<4x128x64xf32, #tpu.memory_space<vmem>> -> memref<1x128x64xf32, #tpu.memory_space<vmem>>
        %dma_start3A_207 = tpu.memref_squeeze %dma_start3A_206 : memref<1x128x64xf32, #tpu.memory_space<vmem>> -> memref<128x64xf32, #tpu.memory_space<vmem>>
        %dma_start3A_208 = arith.constant 0 : i32
        %dma_start3A_209 = tpu.memref_slice %arg6[%add3A_202, %dma_start3A_208] : memref<160x128xi32, #tpu.memory_space<vmem>> -> memref<1x128xi32, #tpu.memory_space<vmem>>
        %dma_start3A_210 = tpu.memref_squeeze %dma_start3A_209 : memref<1x128xi32, #tpu.memory_space<vmem>> -> memref<128xi32, #tpu.memory_space<vmem>>
        %dma_start3A_211 = arith.constant 0 : i32
        %dma_start3A_212 = arith.constant 0 : i32
        %dma_start3A_213 = tpu.memref_slice %arg2[%arg0, %dma_start3A_211, %dma_start3A_212] : memref<2x10000x64xf32, #tpu.memory_space<hbm>> -> memref<1x10000x64xf32, #tpu.memory_space<hbm>>
        %dma_start3A_214 = tpu.memref_squeeze %dma_start3A_213 : memref<1x10000x64xf32, #tpu.memory_space<hbm>> -> memref<10000x64xf32, #tpu.memory_space<hbm>>
        %dma_start3A_215 = arith.constant 0 : i32
        %dma_start3A_216 = arith.constant 0 : i32
        %dma_start3A_217 = tpu.memref_slice %dma_start3A_214[%dma_start3A_215, %dma_start3A_216] : memref<10000x64xf32, #tpu.memory_space<hbm>> -> memref<10000x64xf32, #tpu.memory_space<hbm>>
        tpu.enqueue_indirect_dma source(%dma_start3A_217 : memref<10000x64xf32, #tpu.memory_space<hbm>>) target(%dma_start3A_207 : memref<128x64xf32, #tpu.memory_space<vmem>>) offsets(%dma_start3A_210 : memref<128xi32, #tpu.memory_space<vmem>>) semaphore(%arg13 : memref<!tpu.dma_semaphore, #tpu.memory_space<semaphore_mem>>)
      } else {
      }
      %add3A_176 = arith.constant 3 : i32
      %add3A_177 = arith.addi %mul3A_102, %add3A_176 : i32
      %dma_wait3A_178 = arith.constant 3 : i32
      %dma_wait3A_179 = arith.constant 0 : i32
      %dma_wait3A_180 = arith.constant 0 : i32
      %dma_wait3A_181 = tpu.memref_slice %arg8[%dma_wait3A_178, %dma_wait3A_179, %dma_wait3A_180] : memref<4x128x64xf32, #tpu.memory_space<vmem>> -> memref<1x128x64xf32, #tpu.memory_space<vmem>>
      %dma_wait3A_182 = tpu.memref_squeeze %dma_wait3A_181 : memref<1x128x64xf32, #tpu.memory_space<vmem>> -> memref<128x64xf32, #tpu.memory_space<vmem>>
      %dma_wait3A_183 = arith.constant 0 : i32
      %dma_wait3A_184 = tpu.memref_slice %arg6[%add3A_177, %dma_wait3A_183] : memref<160x128xi32, #tpu.memory_space<vmem>> -> memref<1x128xi32, #tpu.memory_space<vmem>>
      %dma_wait3A_185 = tpu.memref_squeeze %dma_wait3A_184 : memref<1x128xi32, #tpu.memory_space<vmem>> -> memref<128xi32, #tpu.memory_space<vmem>>
      %dma_wait3A_186 = arith.constant 0 : i32
      %dma_wait3A_187 = arith.constant 0 : i32
      %dma_wait3A_188 = tpu.memref_slice %arg2[%arg0, %dma_wait3A_186, %dma_wait3A_187] : memref<2x10000x64xf32, #tpu.memory_space<hbm>> -> memref<1x10000x64xf32, #tpu.memory_space<hbm>>
      %dma_wait3A_189 = tpu.memref_squeeze %dma_wait3A_188 : memref<1x10000x64xf32, #tpu.memory_space<hbm>> -> memref<10000x64xf32, #tpu.memory_space<hbm>>
      %dma_wait3A_190 = arith.constant 0 : i32
      %dma_wait3A_191 = arith.constant 0 : i32
      %dma_wait3A_192 = tpu.memref_slice %dma_wait3A_189[%dma_wait3A_190, %dma_wait3A_191] : memref<10000x64xf32, #tpu.memory_space<hbm>> -> memref<10000x64xf32, #tpu.memory_space<hbm>>
      tpu.wait_indirect_dma semaphore(%arg14 : memref<!tpu.dma_semaphore, #tpu.memory_space<semaphore_mem>>) src(%dma_wait3A_192 : memref<10000x64xf32, #tpu.memory_space<hbm>>) dst(%dma_wait3A_182 : memref<128x64xf32, #tpu.memory_space<vmem>>)
      %run_scoped3A_193 = arith.constant 3 : i32
      "tpu.region"() ({
        %run_scoped3A_201 = tpu.sem_alloc : memref<!tpu.dma_semaphore, #tpu.memory_space<semaphore_mem>>
        %dma_start3A_202 = arith.constant 0 : i32
        %dma_start3A_203 = arith.constant 0 : i32
        %dma_start3A_204 = tpu.memref_slice %arg8[%run_scoped3A_193, %dma_start3A_202, %dma_start3A_203] : memref<4x128x64xf32, #tpu.memory_space<vmem>> -> memref<1x128x64xf32, #tpu.memory_space<vmem>>
        %dma_start3A_205 = tpu.memref_squeeze %dma_start3A_204 : memref<1x128x64xf32, #tpu.memory_space<vmem>> -> memref<128x64xf32, #tpu.memory_space<vmem>>
        %dma_start3A_206 = arith.constant 0 : i32
        %dma_start3A_207 = tpu.memref_slice %arg7[%add3A_177, %dma_start3A_206] : memref<160x128xi32, #tpu.memory_space<vmem>> -> memref<1x128xi32, #tpu.memory_space<vmem>>
        %dma_start3A_208 = tpu.memref_squeeze %dma_start3A_207 : memref<1x128xi32, #tpu.memory_space<vmem>> -> memref<128xi32, #tpu.memory_space<vmem>>
        %dma_start3A_209 = arith.constant 0 : i32
        %dma_start3A_210 = arith.constant 0 : i32
        %dma_start3A_211 = tpu.memref_slice %arg10[%dma_start3A_209, %dma_start3A_210] : memref<10240x64xf32, #tpu.memory_space<vmem_shared>> -> memref<10240x64xf32, #tpu.memory_space<vmem_shared>>
        tpu.enqueue_indirect_dma source(%dma_start3A_205 : memref<128x64xf32, #tpu.memory_space<vmem>>) target(%dma_start3A_211 : memref<10240x64xf32, #tpu.memory_space<vmem_shared>>) offsets(%dma_start3A_208 : memref<128xi32, #tpu.memory_space<vmem>>) semaphore(%run_scoped3A_201 : memref<!tpu.dma_semaphore, #tpu.memory_space<semaphore_mem>>) {add = true}
        %dma_wait3A_212 = arith.constant 0 : i32
        %dma_wait3A_213 = arith.constant 0 : i32
        %dma_wait3A_214 = tpu.memref_slice %arg8[%run_scoped3A_193, %dma_wait3A_212, %dma_wait3A_213] : memref<4x128x64xf32, #tpu.memory_space<vmem>> -> memref<1x128x64xf32, #tpu.memory_space<vmem>>
        %dma_wait3A_215 = tpu.memref_squeeze %dma_wait3A_214 : memref<1x128x64xf32, #tpu.memory_space<vmem>> -> memref<128x64xf32, #tpu.memory_space<vmem>>
        %dma_wait3A_216 = arith.constant 0 : i32
        %dma_wait3A_217 = tpu.memref_slice %arg7[%add3A_177, %dma_wait3A_216] : memref<160x128xi32, #tpu.memory_space<vmem>> -> memref<1x128xi32, #tpu.memory_space<vmem>>
        %dma_wait3A_218 = tpu.memref_squeeze %dma_wait3A_217 : memref<1x128xi32, #tpu.memory_space<vmem>> -> memref<128xi32, #tpu.memory_space<vmem>>
        %dma_wait3A_219 = arith.constant 0 : i32
        %dma_wait3A_220 = arith.constant 0 : i32
        %dma_wait3A_221 = tpu.memref_slice %arg10[%dma_wait3A_219, %dma_wait3A_220] : memref<10240x64xf32, #tpu.memory_space<vmem_shared>> -> memref<10240x64xf32, #tpu.memory_space<vmem_shared>>
        tpu.wait_indirect_dma semaphore(%run_scoped3A_201 : memref<!tpu.dma_semaphore, #tpu.memory_space<semaphore_mem>>) src(%dma_wait3A_215 : memref<128x64xf32, #tpu.memory_space<vmem>>) dst(%dma_wait3A_221 : memref<10240x64xf32, #tpu.memory_space<vmem_shared>>)
        tpu.yield
      }) : () -> ()
      %add3A_194 = arith.constant 4 : i32
      %add3A_195 = arith.addi %add3A_177, %add3A_194 : i32
      %lt3A_196 = arith.constant 160 : i32
      %lt3A_197 = arith.cmpi slt, %add3A_195, %lt3A_196 : i32
      %convert_element_type3A_198 = arith.extui %lt3A_197 : i1 to i32
      %cond3A_199 = arith.constant 0 : i32
      %cond3A_200 = arith.cmpi ne, %convert_element_type3A_198, %cond3A_199 : i32
      scf.if %cond3A_200 {
        %add3A_201 = arith.constant 4 : i32
        %add3A_202 = arith.addi %add3A_177, %add3A_201 : i32
        %dma_start3A_203 = arith.constant 3 : i32
        %dma_start3A_204 = arith.constant 0 : i32
        %dma_start3A_205 = arith.constant 0 : i32
        %dma_start3A_206 = tpu.memref_slice %arg8[%dma_start3A_203, %dma_start3A_204, %dma_start3A_205] : memref<4x128x64xf32, #tpu.memory_space<vmem>> -> memref<1x128x64xf32, #tpu.memory_space<vmem>>
        %dma_start3A_207 = tpu.memref_squeeze %dma_start3A_206 : memref<1x128x64xf32, #tpu.memory_space<vmem>> -> memref<128x64xf32, #tpu.memory_space<vmem>>
        %dma_start3A_208 = arith.constant 0 : i32
        %dma_start3A_209 = tpu.memref_slice %arg6[%add3A_202, %dma_start3A_208] : memref<160x128xi32, #tpu.memory_space<vmem>> -> memref<1x128xi32, #tpu.memory_space<vmem>>
        %dma_start3A_210 = tpu.memref_squeeze %dma_start3A_209 : memref<1x128xi32, #tpu.memory_space<vmem>> -> memref<128xi32, #tpu.memory_space<vmem>>
        %dma_start3A_211 = arith.constant 0 : i32
        %dma_start3A_212 = arith.constant 0 : i32
        %dma_start3A_213 = tpu.memref_slice %arg2[%arg0, %dma_start3A_211, %dma_start3A_212] : memref<2x10000x64xf32, #tpu.memory_space<hbm>> -> memref<1x10000x64xf32, #tpu.memory_space<hbm>>
        %dma_start3A_214 = tpu.memref_squeeze %dma_start3A_213 : memref<1x10000x64xf32, #tpu.memory_space<hbm>> -> memref<10000x64xf32, #tpu.memory_space<hbm>>
        %dma_start3A_215 = arith.constant 0 : i32
        %dma_start3A_216 = arith.constant 0 : i32
        %dma_start3A_217 = tpu.memref_slice %dma_start3A_214[%dma_start3A_215, %dma_start3A_216] : memref<10000x64xf32, #tpu.memory_space<hbm>> -> memref<10000x64xf32, #tpu.memory_space<hbm>>
        tpu.enqueue_indirect_dma source(%dma_start3A_217 : memref<10000x64xf32, #tpu.memory_space<hbm>>) target(%dma_start3A_207 : memref<128x64xf32, #tpu.memory_space<vmem>>) offsets(%dma_start3A_210 : memref<128xi32, #tpu.memory_space<vmem>>) semaphore(%arg14 : memref<!tpu.dma_semaphore, #tpu.memory_space<semaphore_mem>>)
      } else {
      }
    }
    %scan3A_90 = arith.constant 40 : i32
    %barrier3A_91 = arith.constant 0 : index
    tpu.barrier barrier_id(%barrier3A_91)
    %mul3A_92 = arith.constant 640 : i32
    %mul3A_93 = arith.muli %arg1, %mul3A_92 : i32
    %lt3A = arith.constant 15 : i32
    %lt3A_94 = arith.cmpi slt, %arg1, %lt3A : i32
    %convert_element_type3A = arith.extui %lt3A_94 : i1 to i32
    %cond3A = arith.constant 0 : i32
    %cond3A_95 = arith.cmpi ne, %convert_element_type3A, %cond3A : i32
    scf.if %cond3A_95 {
      "tpu.region"() ({
        %run_scoped3A = tpu.sem_alloc : memref<!tpu.dma_semaphore, #tpu.memory_space<semaphore_mem>>
        %dma_start3A_100 = arith.constant 0 : i32
        %dma_start3A_101 = tpu.memref_slice %arg5[%arg0, %mul3A_93, %dma_start3A_100] : memref<2x10000x64xf32, #tpu.memory_space<hbm>> -> memref<1x640x64xf32, #tpu.memory_space<hbm>>
        %dma_start3A_102 = tpu.memref_squeeze %dma_start3A_101 : memref<1x640x64xf32, #tpu.memory_space<hbm>> -> memref<640x64xf32, #tpu.memory_space<hbm>>
        %dma_start3A_103 = arith.constant 0 : i32
        %dma_start3A_104 = tpu.memref_slice %arg10[%mul3A_93, %dma_start3A_103] : memref<10240x64xf32, #tpu.memory_space<vmem_shared>> -> memref<640x64xf32, #tpu.memory_space<vmem_shared>>
        tpu.enqueue_dma source(%dma_start3A_104 : memref<640x64xf32, #tpu.memory_space<vmem_shared>>) target(%dma_start3A_102 : memref<640x64xf32, #tpu.memory_space<hbm>>) target_semaphore(%run_scoped3A : memref<!tpu.dma_semaphore, #tpu.memory_space<semaphore_mem>>)
        %dma_wait3A = arith.constant 0 : i32
        %dma_wait3A_105 = tpu.memref_slice %arg5[%arg0, %mul3A_93, %dma_wait3A] : memref<2x10000x64xf32, #tpu.memory_space<hbm>> -> memref<1x640x64xf32, #tpu.memory_space<hbm>>
        %dma_wait3A_106 = tpu.memref_squeeze %dma_wait3A_105 : memref<1x640x64xf32, #tpu.memory_space<hbm>> -> memref<640x64xf32, #tpu.memory_space<hbm>>
        %dma_wait3A_107 = arith.constant 0 : i32
        %dma_wait3A_108 = tpu.memref_slice %arg10[%mul3A_93, %dma_wait3A_107] : memref<10240x64xf32, #tpu.memory_space<vmem_shared>> -> memref<640x64xf32, #tpu.memory_space<vmem_shared>>
        tpu.wait_dma2 semaphore(%run_scoped3A : memref<!tpu.dma_semaphore, #tpu.memory_space<semaphore_mem>>) src(%dma_wait3A_108 : memref<640x64xf32, #tpu.memory_space<vmem_shared>>) dst(%dma_wait3A_106 : memref<640x64xf32, #tpu.memory_space<hbm>>)
        tpu.yield
      }) : () -> ()
    } else {
    }
    %eq3A = arith.constant 15 : i32
    %eq3A_96 = arith.cmpi eq, %arg1, %eq3A : i32
    %convert_element_type3A_97 = arith.extui %eq3A_96 : i1 to i32
    %cond3A_98 = arith.constant 0 : i32
    %cond3A_99 = arith.cmpi ne, %convert_element_type3A_97, %cond3A_98 : i32
    scf.if %cond3A_99 {
      "tpu.region"() ({
        %run_scoped3A = tpu.sem_alloc : memref<!tpu.dma_semaphore, #tpu.memory_space<semaphore_mem>>
        %dma_start3A_100 = arith.constant 0 : i32
        %dma_start3A_101 = tpu.memref_slice %arg5[%arg0, %mul3A_93, %dma_start3A_100] : memref<2x10000x64xf32, #tpu.memory_space<hbm>> -> memref<1x400x64xf32, #tpu.memory_space<hbm>>
        %dma_start3A_102 = tpu.memref_squeeze %dma_start3A_101 : memref<1x400x64xf32, #tpu.memory_space<hbm>> -> memref<400x64xf32, #tpu.memory_space<hbm>>
        %dma_start3A_103 = arith.constant 0 : i32
        %dma_start3A_104 = tpu.memref_slice %arg10[%mul3A_93, %dma_start3A_103] : memref<10240x64xf32, #tpu.memory_space<vmem_shared>> -> memref<400x64xf32, #tpu.memory_space<vmem_shared>>
        tpu.enqueue_dma source(%dma_start3A_104 : memref<400x64xf32, #tpu.memory_space<vmem_shared>>) target(%dma_start3A_102 : memref<400x64xf32, #tpu.memory_space<hbm>>) target_semaphore(%run_scoped3A : memref<!tpu.dma_semaphore, #tpu.memory_space<semaphore_mem>>)
        %dma_wait3A = arith.constant 0 : i32
        %dma_wait3A_105 = tpu.memref_slice %arg5[%arg0, %mul3A_93, %dma_wait3A] : memref<2x10000x64xf32, #tpu.memory_space<hbm>> -> memref<1x400x64xf32, #tpu.memory_space<hbm>>
        %dma_wait3A_106 = tpu.memref_squeeze %dma_wait3A_105 : memref<1x400x64xf32, #tpu.memory_space<hbm>> -> memref<400x64xf32, #tpu.memory_space<hbm>>
        %dma_wait3A_107 = arith.constant 0 : i32
        %dma_wait3A_108 = tpu.memref_slice %arg10[%mul3A_93, %dma_wait3A_107] : memref<10240x64xf32, #tpu.memory_space<vmem_shared>> -> memref<400x64xf32, #tpu.memory_space<vmem_shared>>
        tpu.wait_dma2 semaphore(%run_scoped3A : memref<!tpu.dma_semaphore, #tpu.memory_space<semaphore_mem>>) src(%dma_wait3A_108 : memref<400x64xf32, #tpu.memory_space<vmem_shared>>) dst(%dma_wait3A_106 : memref<400x64xf32, #tpu.memory_space<hbm>>)
        tpu.yield
      }) : () -> ()
    } else {
    }
    return
  }
}

#map = affine_map<(d0, d1) -> (0, 0, 0)>
module attributes {stable_mosaic.version = 14 : i64} {
  func.func @_segsum_body(%arg0: i32, %arg1: i32, %arg2: memref<2x10000x64xf32, #tpu.memory_space<hbm>>, %arg3: memref<16x160x128xi32, #tpu.memory_space<hbm>>, %arg4: memref<16x160x128xi32, #tpu.memory_space<hbm>>, %arg5: memref<2x10000x64xf32, #tpu.memory_space<hbm>>, %arg6: memref<160x128xi32, #tpu.memory_space<vmem>>, %arg7: memref<160x128xi32, #tpu.memory_space<vmem>>, %arg8: memref<4x128x64xf32, #tpu.memory_space<vmem>>, %arg9: memref<128x64xf32, #tpu.memory_space<vmem>>, %arg10: memref<10240x64xf32, #tpu.memory_space<vmem_shared>>, %arg11: memref<!tpu.dma_semaphore, #tpu.memory_space<semaphore_mem>>, %arg12: memref<!tpu.dma_semaphore, #tpu.memory_space<semaphore_mem>>, %arg13: memref<!tpu.dma_semaphore, #tpu.memory_space<semaphore_mem>>, %arg14: memref<!tpu.dma_semaphore, #tpu.memory_space<semaphore_mem>>) attributes {dimension_semantics = [#tpu.dimension_semantics<core_parallel>, #tpu.dimension_semantics<subcore_parallel>], iteration_bounds = array<i64: 2, 16>, scalar_prefetch = 0 : i64, scratch_operands = 9 : i64, tpu.core_type = #tpu.core_type<sc_vector_subcore>, window_params = [{transform_indices = #map}, {transform_indices = #map}, {transform_indices = #map}, {transform_indices = #map}]} {
    "tpu.region"() ({
      %run_scoped3A = tpu.sem_alloc : memref<!tpu.dma_semaphore, #tpu.memory_space<semaphore_mem>>
      %dma_start3A_100 = arith.constant 0 : i32
      %dma_start3A_101 = arith.constant 0 : i32
      %dma_start3A_102 = tpu.memref_slice %arg3[%arg1, %dma_start3A_100, %dma_start3A_101] : memref<16x160x128xi32, #tpu.memory_space<hbm>> -> memref<1x160x128xi32, #tpu.memory_space<hbm>>
      %dma_start3A_103 = tpu.memref_squeeze %dma_start3A_102 : memref<1x160x128xi32, #tpu.memory_space<hbm>> -> memref<160x128xi32, #tpu.memory_space<hbm>>
      %dma_start3A_104 = arith.constant 0 : i32
      %dma_start3A_105 = arith.constant 0 : i32
      %dma_start3A_106 = tpu.memref_slice %arg3[%arg1, %dma_start3A_104, %dma_start3A_105] : memref<16x160x128xi32, #tpu.memory_space<hbm>> -> memref<1x160x128xi32, #tpu.memory_space<hbm>>
      %dma_start3A_107 = tpu.memref_squeeze %dma_start3A_106 : memref<1x160x128xi32, #tpu.memory_space<hbm>> -> memref<160x128xi32, #tpu.memory_space<hbm>>
      tpu.enqueue_dma source(%dma_start3A_107 : memref<160x128xi32, #tpu.memory_space<hbm>>) target(%arg6 : memref<160x128xi32, #tpu.memory_space<vmem>>) target_semaphore(%run_scoped3A : memref<!tpu.dma_semaphore, #tpu.memory_space<semaphore_mem>>)
      %dma_wait3A = arith.constant 0 : i32
      %dma_wait3A_108 = arith.constant 0 : i32
      %dma_wait3A_109 = tpu.memref_slice %arg3[%arg1, %dma_wait3A, %dma_wait3A_108] : memref<16x160x128xi32, #tpu.memory_space<hbm>> -> memref<1x160x128xi32, #tpu.memory_space<hbm>>
      %dma_wait3A_110 = tpu.memref_squeeze %dma_wait3A_109 : memref<1x160x128xi32, #tpu.memory_space<hbm>> -> memref<160x128xi32, #tpu.memory_space<hbm>>
      %dma_wait3A_111 = arith.constant 0 : i32
      %dma_wait3A_112 = arith.constant 0 : i32
      %dma_wait3A_113 = tpu.memref_slice %arg3[%arg1, %dma_wait3A_111, %dma_wait3A_112] : memref<16x160x128xi32, #tpu.memory_space<hbm>> -> memref<1x160x128xi32, #tpu.memory_space<hbm>>
      %dma_wait3A_114 = tpu.memref_squeeze %dma_wait3A_113 : memref<1x160x128xi32, #tpu.memory_space<hbm>> -> memref<160x128xi32, #tpu.memory_space<hbm>>
      tpu.wait_dma2 semaphore(%run_scoped3A : memref<!tpu.dma_semaphore, #tpu.memory_space<semaphore_mem>>) src(%dma_wait3A_114 : memref<160x128xi32, #tpu.memory_space<hbm>>) dst(%arg6 : memref<160x128xi32, #tpu.memory_space<vmem>>)
      tpu.yield
    }) : () -> ()
    "tpu.region"() ({
      %run_scoped3A = tpu.sem_alloc : memref<!tpu.dma_semaphore, #tpu.memory_space<semaphore_mem>>
      %dma_start3A_100 = arith.constant 0 : i32
      %dma_start3A_101 = arith.constant 0 : i32
      %dma_start3A_102 = tpu.memref_slice %arg4[%arg1, %dma_start3A_100, %dma_start3A_101] : memref<16x160x128xi32, #tpu.memory_space<hbm>> -> memref<1x160x128xi32, #tpu.memory_space<hbm>>
      %dma_start3A_103 = tpu.memref_squeeze %dma_start3A_102 : memref<1x160x128xi32, #tpu.memory_space<hbm>> -> memref<160x128xi32, #tpu.memory_space<hbm>>
      %dma_start3A_104 = arith.constant 0 : i32
      %dma_start3A_105 = arith.constant 0 : i32
      %dma_start3A_106 = tpu.memref_slice %arg4[%arg1, %dma_start3A_104, %dma_start3A_105] : memref<16x160x128xi32, #tpu.memory_space<hbm>> -> memref<1x160x128xi32, #tpu.memory_space<hbm>>
      %dma_start3A_107 = tpu.memref_squeeze %dma_start3A_106 : memref<1x160x128xi32, #tpu.memory_space<hbm>> -> memref<160x128xi32, #tpu.memory_space<hbm>>
      tpu.enqueue_dma source(%dma_start3A_107 : memref<160x128xi32, #tpu.memory_space<hbm>>) target(%arg7 : memref<160x128xi32, #tpu.memory_space<vmem>>) target_semaphore(%run_scoped3A : memref<!tpu.dma_semaphore, #tpu.memory_space<semaphore_mem>>)
      %dma_wait3A = arith.constant 0 : i32
      %dma_wait3A_108 = arith.constant 0 : i32
      %dma_wait3A_109 = tpu.memref_slice %arg4[%arg1, %dma_wait3A, %dma_wait3A_108] : memref<16x160x128xi32, #tpu.memory_space<hbm>> -> memref<1x160x128xi32, #tpu.memory_space<hbm>>
      %dma_wait3A_110 = tpu.memref_squeeze %dma_wait3A_109 : memref<1x160x128xi32, #tpu.memory_space<hbm>> -> memref<160x128xi32, #tpu.memory_space<hbm>>
      %dma_wait3A_111 = arith.constant 0 : i32
      %dma_wait3A_112 = arith.constant 0 : i32
      %dma_wait3A_113 = tpu.memref_slice %arg4[%arg1, %dma_wait3A_111, %dma_wait3A_112] : memref<16x160x128xi32, #tpu.memory_space<hbm>> -> memref<1x160x128xi32, #tpu.memory_space<hbm>>
      %dma_wait3A_114 = tpu.memref_squeeze %dma_wait3A_113 : memref<1x160x128xi32, #tpu.memory_space<hbm>> -> memref<160x128xi32, #tpu.memory_space<hbm>>
      tpu.wait_dma2 semaphore(%run_scoped3A : memref<!tpu.dma_semaphore, #tpu.memory_space<semaphore_mem>>) src(%dma_wait3A_114 : memref<160x128xi32, #tpu.memory_space<hbm>>) dst(%arg7 : memref<160x128xi32, #tpu.memory_space<vmem>>)
      tpu.yield
    }) : () -> ()
    %broadcast_in_dim3A = arith.constant 0.000000e+00 : f32
    %broadcast_in_dim3A_0 = vector.broadcast %broadcast_in_dim3A : f32 to vector<16xf32>
    %scan3A = arith.constant 0 : i32
    %scan3A_1 = arith.constant 128 : i32
    %scan3A_2 = arith.addi %scan3A, %scan3A_1 : i32
    %scan3A_3 = arith.constant 1 : i32
    scf.for %scan3A_100 = %scan3A to %scan3A_2 step %scan3A_3  : i32 {
      %swap3A = arith.index_cast %scan3A_100 : i32 to index
      %swap3A_101 = arith.constant 0 : index
      %swap3A_102 = tpu.vector_load %arg9[%swap3A, %swap3A_101] {strides = array<i32>} : memref<128x64xf32, #tpu.memory_space<vmem>>, vector<1x16xf32>,
      %swap3A_103 = vector.shape_cast %swap3A_102 : vector<1x16xf32> to vector<16xf32>
      %swap3A_104 = vector.shape_cast %broadcast_in_dim3A_0 : vector<16xf32> to vector<1x16xf32>
      tpu.vector_store %arg9[%swap3A, %swap3A_101], %swap3A_104 {strides = array<i32>} : memref<128x64xf32, #tpu.memory_space<vmem>>, vector<1x16xf32>,
      %swap3A_105 = arith.index_cast %scan3A_100 : i32 to index
      %swap3A_106 = arith.constant 16 : index
      %swap3A_107 = tpu.vector_load %arg9[%swap3A_105, %swap3A_106] {strides = array<i32>} : memref<128x64xf32, #tpu.memory_space<vmem>>, vector<1x16xf32>,
      %swap3A_108 = vector.shape_cast %swap3A_107 : vector<1x16xf32> to vector<16xf32>
      %swap3A_109 = vector.shape_cast %broadcast_in_dim3A_0 : vector<16xf32> to vector<1x16xf32>
      tpu.vector_store %arg9[%swap3A_105, %swap3A_106], %swap3A_109 {strides = array<i32>} : memref<128x64xf32, #tpu.memory_space<vmem>>, vector<1x16xf32>,
      %swap3A_110 = arith.index_cast %scan3A_100 : i32 to index
      %swap3A_111 = arith.constant 32 : index
      %swap3A_112 = tpu.vector_load %arg9[%swap3A_110, %swap3A_111] {strides = array<i32>} : memref<128x64xf32, #tpu.memory_space<vmem>>, vector<1x16xf32>,
      %swap3A_113 = vector.shape_cast %swap3A_112 : vector<1x16xf32> to vector<16xf32>
      %swap3A_114 = vector.shape_cast %broadcast_in_dim3A_0 : vector<16xf32> to vector<1x16xf32>
      tpu.vector_store %arg9[%swap3A_110, %swap3A_111], %swap3A_114 {strides = array<i32>} : memref<128x64xf32, #tpu.memory_space<vmem>>, vector<1x16xf32>,
      %swap3A_115 = arith.index_cast %scan3A_100 : i32 to index
      %swap3A_116 = arith.constant 48 : index
      %swap3A_117 = tpu.vector_load %arg9[%swap3A_115, %swap3A_116] {strides = array<i32>} : memref<128x64xf32, #tpu.memory_space<vmem>>, vector<1x16xf32>,
      %swap3A_118 = vector.shape_cast %swap3A_117 : vector<1x16xf32> to vector<16xf32>
      %swap3A_119 = vector.shape_cast %broadcast_in_dim3A_0 : vector<16xf32> to vector<1x16xf32>
      tpu.vector_store %arg9[%swap3A_115, %swap3A_116], %swap3A_119 {strides = array<i32>} : memref<128x64xf32, #tpu.memory_space<vmem>>, vector<1x16xf32>,
    }
    %scan3A_4 = arith.constant 128 : i32
    %dma_start3A = arith.constant 0 : i32
    %dma_start3A_5 = arith.constant 0 : i32
    %dma_start3A_6 = arith.constant 0 : i32
    %dma_start3A_7 = arith.constant 0 : i32
    %dma_start3A_8 = tpu.memref_slice %arg8[%dma_start3A_5, %dma_start3A_6, %dma_start3A_7] : memref<4x128x64xf32, #tpu.memory_space<vmem>> -> memref<1x128x64xf32, #tpu.memory_space<vmem>>
    %dma_start3A_9 = tpu.memref_squeeze %dma_start3A_8 : memref<1x128x64xf32, #tpu.memory_space<vmem>> -> memref<128x64xf32, #tpu.memory_space<vmem>>
    %dma_start3A_10 = arith.constant 0 : i32
    %dma_start3A_11 = tpu.memref_slice %arg6[%dma_start3A, %dma_start3A_10] : memref<160x128xi32, #tpu.memory_space<vmem>> -> memref<1x128xi32, #tpu.memory_space<vmem>>
    %dma_start3A_12 = tpu.memref_squeeze %dma_start3A_11 : memref<1x128xi32, #tpu.memory_space<vmem>> -> memref<128xi32, #tpu.memory_space<vmem>>
    %dma_start3A_13 = arith.constant 0 : i32
    %dma_start3A_14 = arith.constant 0 : i32
    %dma_start3A_15 = tpu.memref_slice %arg2[%arg0, %dma_start3A_13, %dma_start3A_14] : memref<2x10000x64xf32, #tpu.memory_space<hbm>> -> memref<1x10000x64xf32, #tpu.memory_space<hbm>>
    %dma_start3A_16 = tpu.memref_squeeze %dma_start3A_15 : memref<1x10000x64xf32, #tpu.memory_space<hbm>> -> memref<10000x64xf32, #tpu.memory_space<hbm>>
    %dma_start3A_17 = arith.constant 0 : i32
    %dma_start3A_18 = arith.constant 0 : i32
    %dma_start3A_19 = tpu.memref_slice %dma_start3A_16[%dma_start3A_17, %dma_start3A_18] : memref<10000x64xf32, #tpu.memory_space<hbm>> -> memref<10000x64xf32, #tpu.memory_space<hbm>>
    tpu.enqueue_indirect_dma source(%dma_start3A_19 : memref<10000x64xf32, #tpu.memory_space<hbm>>) target(%dma_start3A_9 : memref<128x64xf32, #tpu.memory_space<vmem>>) offsets(%dma_start3A_12 : memref<128xi32, #tpu.memory_space<vmem>>) semaphore(%arg11 : memref<!tpu.dma_semaphore, #tpu.memory_space<semaphore_mem>>)
    %dma_start3A_20 = arith.constant 1 : i32
    %dma_start3A_21 = arith.constant 1 : i32
    %dma_start3A_22 = arith.constant 0 : i32
    %dma_start3A_23 = arith.constant 0 : i32
    %dma_start3A_24 = tpu.memref_slice %arg8[%dma_start3A_21, %dma_start3A_22, %dma_start3A_23] : memref<4x128x64xf32, #tpu.memory_space<vmem>> -> memref<1x128x64xf32, #tpu.memory_space<vmem>>
    %dma_start3A_25 = tpu.memref_squeeze %dma_start3A_24 : memref<1x128x64xf32, #tpu.memory_space<vmem>> -> memref<128x64xf32, #tpu.memory_space<vmem>>
    %dma_start3A_26 = arith.constant 0 : i32
    %dma_start3A_27 = tpu.memref_slice %arg6[%dma_start3A_20, %dma_start3A_26] : memref<160x128xi32, #tpu.memory_space<vmem>> -> memref<1x128xi32, #tpu.memory_space<vmem>>
    %dma_start3A_28 = tpu.memref_squeeze %dma_start3A_27 : memref<1x128xi32, #tpu.memory_space<vmem>> -> memref<128xi32, #tpu.memory_space<vmem>>
    %dma_start3A_29 = arith.constant 0 : i32
    %dma_start3A_30 = arith.constant 0 : i32
    %dma_start3A_31 = tpu.memref_slice %arg2[%arg0, %dma_start3A_29, %dma_start3A_30] : memref<2x10000x64xf32, #tpu.memory_space<hbm>> -> memref<1x10000x64xf32, #tpu.memory_space<hbm>>
    %dma_start3A_32 = tpu.memref_squeeze %dma_start3A_31 : memref<1x10000x64xf32, #tpu.memory_space<hbm>> -> memref<10000x64xf32, #tpu.memory_space<hbm>>
    %dma_start3A_33 = arith.constant 0 : i32
    %dma_start3A_34 = arith.constant 0 : i32
    %dma_start3A_35 = tpu.memref_slice %dma_start3A_32[%dma_start3A_33, %dma_start3A_34] : memref<10000x64xf32, #tpu.memory_space<hbm>> -> memref<10000x64xf32, #tpu.memory_space<hbm>>
    tpu.enqueue_indirect_dma source(%dma_start3A_35 : memref<10000x64xf32, #tpu.memory_space<hbm>>) target(%dma_start3A_25 : memref<128x64xf32, #tpu.memory_space<vmem>>) offsets(%dma_start3A_28 : memref<128xi32, #tpu.memory_space<vmem>>) semaphore(%arg12 : memref<!tpu.dma_semaphore, #tpu.memory_space<semaphore_mem>>)
    %dma_start3A_36 = arith.constant 2 : i32
    %dma_start3A_37 = arith.constant 2 : i32
    %dma_start3A_38 = arith.constant 0 : i32
    %dma_start3A_39 = arith.constant 0 : i32
    %dma_start3A_40 = tpu.memref_slice %arg8[%dma_start3A_37, %dma_start3A_38, %dma_start3A_39] : memref<4x128x64xf32, #tpu.memory_space<vmem>> -> memref<1x128x64xf32, #tpu.memory_space<vmem>>
    %dma_start3A_41 = tpu.memref_squeeze %dma_start3A_40 : memref<1x128x64xf32, #tpu.memory_space<vmem>> -> memref<128x64xf32, #tpu.memory_space<vmem>>
    %dma_start3A_42 = arith.constant 0 : i32
    %dma_start3A_43 = tpu.memref_slice %arg6[%dma_start3A_36, %dma_start3A_42] : memref<160x128xi32, #tpu.memory_space<vmem>> -> memref<1x128xi32, #tpu.memory_space<vmem>>
    %dma_start3A_44 = tpu.memref_squeeze %dma_start3A_43 : memref<1x128xi32, #tpu.memory_space<vmem>> -> memref<128xi32, #tpu.memory_space<vmem>>
    %dma_start3A_45 = arith.constant 0 : i32
    %dma_start3A_46 = arith.constant 0 : i32
    %dma_start3A_47 = tpu.memref_slice %arg2[%arg0, %dma_start3A_45, %dma_start3A_46] : memref<2x10000x64xf32, #tpu.memory_space<hbm>> -> memref<1x10000x64xf32, #tpu.memory_space<hbm>>
    %dma_start3A_48 = tpu.memref_squeeze %dma_start3A_47 : memref<1x10000x64xf32, #tpu.memory_space<hbm>> -> memref<10000x64xf32, #tpu.memory_space<hbm>>
    %dma_start3A_49 = arith.constant 0 : i32
    %dma_start3A_50 = arith.constant 0 : i32
    %dma_start3A_51 = tpu.memref_slice %dma_start3A_48[%dma_start3A_49, %dma_start3A_50] : memref<10000x64xf32, #tpu.memory_space<hbm>> -> memref<10000x64xf32, #tpu.memory_space<hbm>>
    tpu.enqueue_indirect_dma source(%dma_start3A_51 : memref<10000x64xf32, #tpu.memory_space<hbm>>) target(%dma_start3A_41 : memref<128x64xf32, #tpu.memory_space<vmem>>) offsets(%dma_start3A_44 : memref<128xi32, #tpu.memory_space<vmem>>) semaphore(%arg13 : memref<!tpu.dma_semaphore, #tpu.memory_space<semaphore_mem>>)
    %dma_start3A_52 = arith.constant 3 : i32
    %dma_start3A_53 = arith.constant 3 : i32
    %dma_start3A_54 = arith.constant 0 : i32
    %dma_start3A_55 = arith.constant 0 : i32
    %dma_start3A_56 = tpu.memref_slice %arg8[%dma_start3A_53, %dma_start3A_54, %dma_start3A_55] : memref<4x128x64xf32, #tpu.memory_space<vmem>> -> memref<1x128x64xf32, #tpu.memory_space<vmem>>
    %dma_start3A_57 = tpu.memref_squeeze %dma_start3A_56 : memref<1x128x64xf32, #tpu.memory_space<vmem>> -> memref<128x64xf32, #tpu.memory_space<vmem>>
    %dma_start3A_58 = arith.constant 0 : i32
    %dma_start3A_59 = tpu.memref_slice %arg6[%dma_start3A_52, %dma_start3A_58] : memref<160x128xi32, #tpu.memory_space<vmem>> -> memref<1x128xi32, #tpu.memory_space<vmem>>
    %dma_start3A_60 = tpu.memref_squeeze %dma_start3A_59 : memref<1x128xi32, #tpu.memory_space<vmem>> -> memref<128xi32, #tpu.memory_space<vmem>>
    %dma_start3A_61 = arith.constant 0 : i32
    %dma_start3A_62 = arith.constant 0 : i32
    %dma_start3A_63 = tpu.memref_slice %arg2[%arg0, %dma_start3A_61, %dma_start3A_62] : memref<2x10000x64xf32, #tpu.memory_space<hbm>> -> memref<1x10000x64xf32, #tpu.memory_space<hbm>>
    %dma_start3A_64 = tpu.memref_squeeze %dma_start3A_63 : memref<1x10000x64xf32, #tpu.memory_space<hbm>> -> memref<10000x64xf32, #tpu.memory_space<hbm>>
    %dma_start3A_65 = arith.constant 0 : i32
    %dma_start3A_66 = arith.constant 0 : i32
    %dma_start3A_67 = tpu.memref_slice %dma_start3A_64[%dma_start3A_65, %dma_start3A_66] : memref<10000x64xf32, #tpu.memory_space<hbm>> -> memref<10000x64xf32, #tpu.memory_space<hbm>>
    tpu.enqueue_indirect_dma source(%dma_start3A_67 : memref<10000x64xf32, #tpu.memory_space<hbm>>) target(%dma_start3A_57 : memref<128x64xf32, #tpu.memory_space<vmem>>) offsets(%dma_start3A_60 : memref<128xi32, #tpu.memory_space<vmem>>) semaphore(%arg14 : memref<!tpu.dma_semaphore, #tpu.memory_space<semaphore_mem>>)
    %mul3A = arith.constant 640 : i32
    %mul3A_68 = arith.muli %arg1, %mul3A : i32
    %add3A = arith.constant 0 : i32
    %add3A_69 = arith.addi %mul3A_68, %add3A : i32
    "tpu.region"() ({
      %run_scoped3A = tpu.sem_alloc : memref<!tpu.dma_semaphore, #tpu.memory_space<semaphore_mem>>
      %dma_start3A_100 = arith.constant 0 : i32
      %dma_start3A_101 = tpu.memref_slice %arg10[%add3A_69, %dma_start3A_100] : memref<10240x64xf32, #tpu.memory_space<vmem_shared>> -> memref<128x64xf32, #tpu.memory_space<vmem_shared>>
      %dma_start3A_102 = arith.constant 0 : i32
      %dma_start3A_103 = tpu.memref_slice %arg10[%add3A_69, %dma_start3A_102] : memref<10240x64xf32, #tpu.memory_space<vmem_shared>> -> memref<128x64xf32, #tpu.memory_space<vmem_shared>>
      tpu.enqueue_dma source(%arg9 : memref<128x64xf32, #tpu.memory_space<vmem>>) target(%dma_start3A_103 : memref<128x64xf32, #tpu.memory_space<vmem_shared>>) target_semaphore(%run_scoped3A : memref<!tpu.dma_semaphore, #tpu.memory_space<semaphore_mem>>)
      %dma_wait3A = arith.constant 0 : i32
      %dma_wait3A_104 = tpu.memref_slice %arg10[%add3A_69, %dma_wait3A] : memref<10240x64xf32, #tpu.memory_space<vmem_shared>> -> memref<128x64xf32, #tpu.memory_space<vmem_shared>>
      %dma_wait3A_105 = arith.constant 0 : i32
      %dma_wait3A_106 = tpu.memref_slice %arg10[%add3A_69, %dma_wait3A_105] : memref<10240x64xf32, #tpu.memory_space<vmem_shared>> -> memref<128x64xf32, #tpu.memory_space<vmem_shared>>
      tpu.wait_dma2 semaphore(%run_scoped3A : memref<!tpu.dma_semaphore, #tpu.memory_space<semaphore_mem>>) src(%arg9 : memref<128x64xf32, #tpu.memory_space<vmem>>) dst(%dma_wait3A_106 : memref<128x64xf32, #tpu.memory_space<vmem_shared>>)
      tpu.yield
    }) : () -> ()
    %mul3A_70 = arith.constant 640 : i32
    %mul3A_71 = arith.muli %arg1, %mul3A_70 : i32
    %add3A_72 = arith.constant 128 : i32
    %add3A_73 = arith.addi %mul3A_71, %add3A_72 : i32
    "tpu.region"() ({
      %run_scoped3A = tpu.sem_alloc : memref<!tpu.dma_semaphore, #tpu.memory_space<semaphore_mem>>
      %dma_start3A_100 = arith.constant 0 : i32
      %dma_start3A_101 = tpu.memref_slice %arg10[%add3A_73, %dma_start3A_100] : memref<10240x64xf32, #tpu.memory_space<vmem_shared>> -> memref<128x64xf32, #tpu.memory_space<vmem_shared>>
      %dma_start3A_102 = arith.constant 0 : i32
      %dma_start3A_103 = tpu.memref_slice %arg10[%add3A_73, %dma_start3A_102] : memref<10240x64xf32, #tpu.memory_space<vmem_shared>> -> memref<128x64xf32, #tpu.memory_space<vmem_shared>>
      tpu.enqueue_dma source(%arg9 : memref<128x64xf32, #tpu.memory_space<vmem>>) target(%dma_start3A_103 : memref<128x64xf32, #tpu.memory_space<vmem_shared>>) target_semaphore(%run_scoped3A : memref<!tpu.dma_semaphore, #tpu.memory_space<semaphore_mem>>)
      %dma_wait3A = arith.constant 0 : i32
      %dma_wait3A_104 = tpu.memref_slice %arg10[%add3A_73, %dma_wait3A] : memref<10240x64xf32, #tpu.memory_space<vmem_shared>> -> memref<128x64xf32, #tpu.memory_space<vmem_shared>>
      %dma_wait3A_105 = arith.constant 0 : i32
      %dma_wait3A_106 = tpu.memref_slice %arg10[%add3A_73, %dma_wait3A_105] : memref<10240x64xf32, #tpu.memory_space<vmem_shared>> -> memref<128x64xf32, #tpu.memory_space<vmem_shared>>
      tpu.wait_dma2 semaphore(%run_scoped3A : memref<!tpu.dma_semaphore, #tpu.memory_space<semaphore_mem>>) src(%arg9 : memref<128x64xf32, #tpu.memory_space<vmem>>) dst(%dma_wait3A_106 : memref<128x64xf32, #tpu.memory_space<vmem_shared>>)
      tpu.yield
    }) : () -> ()
    %mul3A_74 = arith.constant 640 : i32
    %mul3A_75 = arith.muli %arg1, %mul3A_74 : i32
    %add3A_76 = arith.constant 256 : i32
    %add3A_77 = arith.addi %mul3A_75, %add3A_76 : i32
    "tpu.region"() ({
      %run_scoped3A = tpu.sem_alloc : memref<!tpu.dma_semaphore, #tpu.memory_space<semaphore_mem>>
      %dma_start3A_100 = arith.constant 0 : i32
      %dma_start3A_101 = tpu.memref_slice %arg10[%add3A_77, %dma_start3A_100] : memref<10240x64xf32, #tpu.memory_space<vmem_shared>> -> memref<128x64xf32, #tpu.memory_space<vmem_shared>>
      %dma_start3A_102 = arith.constant 0 : i32
      %dma_start3A_103 = tpu.memref_slice %arg10[%add3A_77, %dma_start3A_102] : memref<10240x64xf32, #tpu.memory_space<vmem_shared>> -> memref<128x64xf32, #tpu.memory_space<vmem_shared>>
      tpu.enqueue_dma source(%arg9 : memref<128x64xf32, #tpu.memory_space<vmem>>) target(%dma_start3A_103 : memref<128x64xf32, #tpu.memory_space<vmem_shared>>) target_semaphore(%run_scoped3A : memref<!tpu.dma_semaphore, #tpu.memory_space<semaphore_mem>>)
      %dma_wait3A = arith.constant 0 : i32
      %dma_wait3A_104 = tpu.memref_slice %arg10[%add3A_77, %dma_wait3A] : memref<10240x64xf32, #tpu.memory_space<vmem_shared>> -> memref<128x64xf32, #tpu.memory_space<vmem_shared>>
      %dma_wait3A_105 = arith.constant 0 : i32
      %dma_wait3A_106 = tpu.memref_slice %arg10[%add3A_77, %dma_wait3A_105] : memref<10240x64xf32, #tpu.memory_space<vmem_shared>> -> memref<128x64xf32, #tpu.memory_space<vmem_shared>>
      tpu.wait_dma2 semaphore(%run_scoped3A : memref<!tpu.dma_semaphore, #tpu.memory_space<semaphore_mem>>) src(%arg9 : memref<128x64xf32, #tpu.memory_space<vmem>>) dst(%dma_wait3A_106 : memref<128x64xf32, #tpu.memory_space<vmem_shared>>)
      tpu.yield
    }) : () -> ()
    %mul3A_78 = arith.constant 640 : i32
    %mul3A_79 = arith.muli %arg1, %mul3A_78 : i32
    %add3A_80 = arith.constant 384 : i32
    %add3A_81 = arith.addi %mul3A_79, %add3A_80 : i32
    "tpu.region"() ({
      %run_scoped3A = tpu.sem_alloc : memref<!tpu.dma_semaphore, #tpu.memory_space<semaphore_mem>>
      %dma_start3A_100 = arith.constant 0 : i32
      %dma_start3A_101 = tpu.memref_slice %arg10[%add3A_81, %dma_start3A_100] : memref<10240x64xf32, #tpu.memory_space<vmem_shared>> -> memref<128x64xf32, #tpu.memory_space<vmem_shared>>
      %dma_start3A_102 = arith.constant 0 : i32
      %dma_start3A_103 = tpu.memref_slice %arg10[%add3A_81, %dma_start3A_102] : memref<10240x64xf32, #tpu.memory_space<vmem_shared>> -> memref<128x64xf32, #tpu.memory_space<vmem_shared>>
      tpu.enqueue_dma source(%arg9 : memref<128x64xf32, #tpu.memory_space<vmem>>) target(%dma_start3A_103 : memref<128x64xf32, #tpu.memory_space<vmem_shared>>) target_semaphore(%run_scoped3A : memref<!tpu.dma_semaphore, #tpu.memory_space<semaphore_mem>>)
      %dma_wait3A = arith.constant 0 : i32
      %dma_wait3A_104 = tpu.memref_slice %arg10[%add3A_81, %dma_wait3A] : memref<10240x64xf32, #tpu.memory_space<vmem_shared>> -> memref<128x64xf32, #tpu.memory_space<vmem_shared>>
      %dma_wait3A_105 = arith.constant 0 : i32
      %dma_wait3A_106 = tpu.memref_slice %arg10[%add3A_81, %dma_wait3A_105] : memref<10240x64xf32, #tpu.memory_space<vmem_shared>> -> memref<128x64xf32, #tpu.memory_space<vmem_shared>>
      tpu.wait_dma2 semaphore(%run_scoped3A : memref<!tpu.dma_semaphore, #tpu.memory_space<semaphore_mem>>) src(%arg9 : memref<128x64xf32, #tpu.memory_space<vmem>>) dst(%dma_wait3A_106 : memref<128x64xf32, #tpu.memory_space<vmem_shared>>)
      tpu.yield
    }) : () -> ()
    %mul3A_82 = arith.constant 640 : i32
    %mul3A_83 = arith.muli %arg1, %mul3A_82 : i32
    %add3A_84 = arith.constant 512 : i32
    %add3A_85 = arith.addi %mul3A_83, %add3A_84 : i32
    "tpu.region"() ({
      %run_scoped3A = tpu.sem_alloc : memref<!tpu.dma_semaphore, #tpu.memory_space<semaphore_mem>>
      %dma_start3A_100 = arith.constant 0 : i32
      %dma_start3A_101 = tpu.memref_slice %arg10[%add3A_85, %dma_start3A_100] : memref<10240x64xf32, #tpu.memory_space<vmem_shared>> -> memref<128x64xf32, #tpu.memory_space<vmem_shared>>
      %dma_start3A_102 = arith.constant 0 : i32
      %dma_start3A_103 = tpu.memref_slice %arg10[%add3A_85, %dma_start3A_102] : memref<10240x64xf32, #tpu.memory_space<vmem_shared>> -> memref<128x64xf32, #tpu.memory_space<vmem_shared>>
      tpu.enqueue_dma source(%arg9 : memref<128x64xf32, #tpu.memory_space<vmem>>) target(%dma_start3A_103 : memref<128x64xf32, #tpu.memory_space<vmem_shared>>) target_semaphore(%run_scoped3A : memref<!tpu.dma_semaphore, #tpu.memory_space<semaphore_mem>>)
      %dma_wait3A = arith.constant 0 : i32
      %dma_wait3A_104 = tpu.memref_slice %arg10[%add3A_85, %dma_wait3A] : memref<10240x64xf32, #tpu.memory_space<vmem_shared>> -> memref<128x64xf32, #tpu.memory_space<vmem_shared>>
      %dma_wait3A_105 = arith.constant 0 : i32
      %dma_wait3A_106 = tpu.memref_slice %arg10[%add3A_85, %dma_wait3A_105] : memref<10240x64xf32, #tpu.memory_space<vmem_shared>> -> memref<128x64xf32, #tpu.memory_space<vmem_shared>>
      tpu.wait_dma2 semaphore(%run_scoped3A : memref<!tpu.dma_semaphore, #tpu.memory_space<semaphore_mem>>) src(%arg9 : memref<128x64xf32, #tpu.memory_space<vmem>>) dst(%dma_wait3A_106 : memref<128x64xf32, #tpu.memory_space<vmem_shared>>)
      tpu.yield
    }) : () -> ()
    %barrier3A = arith.constant 0 : index
    tpu.barrier barrier_id(%barrier3A)
    %scan3A_86 = arith.constant 0 : i32
    %scan3A_87 = arith.constant 40 : i32
    %scan3A_88 = arith.addi %scan3A_86, %scan3A_87 : i32
    %scan3A_89 = arith.constant 1 : i32
    scf.for %scan3A_100 = %scan3A_86 to %scan3A_88 step %scan3A_89  : i32 {
      %mul3A_101 = arith.constant 4 : i32
      %mul3A_102 = arith.muli %scan3A_100, %mul3A_101 : i32
      %add3A_103 = arith.constant 0 : i32
      %add3A_104 = arith.addi %mul3A_102, %add3A_103 : i32
      %dma_wait3A = arith.constant 0 : i32
      %dma_wait3A_105 = arith.constant 0 : i32
      %dma_wait3A_106 = arith.constant 0 : i32
      %dma_wait3A_107 = tpu.memref_slice %arg8[%dma_wait3A, %dma_wait3A_105, %dma_wait3A_106] : memref<4x128x64xf32, #tpu.memory_space<vmem>> -> memref<1x128x64xf32, #tpu.memory_space<vmem>>
      %dma_wait3A_108 = tpu.memref_squeeze %dma_wait3A_107 : memref<1x128x64xf32, #tpu.memory_space<vmem>> -> memref<128x64xf32, #tpu.memory_space<vmem>>
      %dma_wait3A_109 = arith.constant 0 : i32
      %dma_wait3A_110 = tpu.memref_slice %arg6[%add3A_104, %dma_wait3A_109] : memref<160x128xi32, #tpu.memory_space<vmem>> -> memref<1x128xi32, #tpu.memory_space<vmem>>
      %dma_wait3A_111 = tpu.memref_squeeze %dma_wait3A_110 : memref<1x128xi32, #tpu.memory_space<vmem>> -> memref<128xi32, #tpu.memory_space<vmem>>
      %dma_wait3A_112 = arith.constant 0 : i32
      %dma_wait3A_113 = arith.constant 0 : i32
      %dma_wait3A_114 = tpu.memref_slice %arg2[%arg0, %dma_wait3A_112, %dma_wait3A_113] : memref<2x10000x64xf32, #tpu.memory_space<hbm>> -> memref<1x10000x64xf32, #tpu.memory_space<hbm>>
      %dma_wait3A_115 = tpu.memref_squeeze %dma_wait3A_114 : memref<1x10000x64xf32, #tpu.memory_space<hbm>> -> memref<10000x64xf32, #tpu.memory_space<hbm>>
      %dma_wait3A_116 = arith.constant 0 : i32
      %dma_wait3A_117 = arith.constant 0 : i32
      %dma_wait3A_118 = tpu.memref_slice %dma_wait3A_115[%dma_wait3A_116, %dma_wait3A_117] : memref<10000x64xf32, #tpu.memory_space<hbm>> -> memref<10000x64xf32, #tpu.memory_space<hbm>>
      tpu.wait_indirect_dma semaphore(%arg11 : memref<!tpu.dma_semaphore, #tpu.memory_space<semaphore_mem>>) src(%dma_wait3A_118 : memref<10000x64xf32, #tpu.memory_space<hbm>>) dst(%dma_wait3A_108 : memref<128x64xf32, #tpu.memory_space<vmem>>)
      %run_scoped3A = arith.constant 0 : i32
      "tpu.region"() ({
        %run_scoped3A_201 = tpu.sem_alloc : memref<!tpu.dma_semaphore, #tpu.memory_space<semaphore_mem>>
        %dma_start3A_202 = arith.constant 0 : i32
        %dma_start3A_203 = arith.constant 0 : i32
        %dma_start3A_204 = tpu.memref_slice %arg8[%run_scoped3A, %dma_start3A_202, %dma_start3A_203] : memref<4x128x64xf32, #tpu.memory_space<vmem>> -> memref<1x128x64xf32, #tpu.memory_space<vmem>>
        %dma_start3A_205 = tpu.memref_squeeze %dma_start3A_204 : memref<1x128x64xf32, #tpu.memory_space<vmem>> -> memref<128x64xf32, #tpu.memory_space<vmem>>
        %dma_start3A_206 = arith.constant 0 : i32
        %dma_start3A_207 = tpu.memref_slice %arg7[%add3A_104, %dma_start3A_206] : memref<160x128xi32, #tpu.memory_space<vmem>> -> memref<1x128xi32, #tpu.memory_space<vmem>>
        %dma_start3A_208 = tpu.memref_squeeze %dma_start3A_207 : memref<1x128xi32, #tpu.memory_space<vmem>> -> memref<128xi32, #tpu.memory_space<vmem>>
        %dma_start3A_209 = arith.constant 0 : i32
        %dma_start3A_210 = arith.constant 0 : i32
        %dma_start3A_211 = tpu.memref_slice %arg10[%dma_start3A_209, %dma_start3A_210] : memref<10240x64xf32, #tpu.memory_space<vmem_shared>> -> memref<10240x64xf32, #tpu.memory_space<vmem_shared>>
        tpu.enqueue_indirect_dma source(%dma_start3A_205 : memref<128x64xf32, #tpu.memory_space<vmem>>) target(%dma_start3A_211 : memref<10240x64xf32, #tpu.memory_space<vmem_shared>>) offsets(%dma_start3A_208 : memref<128xi32, #tpu.memory_space<vmem>>) semaphore(%run_scoped3A_201 : memref<!tpu.dma_semaphore, #tpu.memory_space<semaphore_mem>>) {add = true}
        %dma_wait3A_212 = arith.constant 0 : i32
        %dma_wait3A_213 = arith.constant 0 : i32
        %dma_wait3A_214 = tpu.memref_slice %arg8[%run_scoped3A, %dma_wait3A_212, %dma_wait3A_213] : memref<4x128x64xf32, #tpu.memory_space<vmem>> -> memref<1x128x64xf32, #tpu.memory_space<vmem>>
        %dma_wait3A_215 = tpu.memref_squeeze %dma_wait3A_214 : memref<1x128x64xf32, #tpu.memory_space<vmem>> -> memref<128x64xf32, #tpu.memory_space<vmem>>
        %dma_wait3A_216 = arith.constant 0 : i32
        %dma_wait3A_217 = tpu.memref_slice %arg7[%add3A_104, %dma_wait3A_216] : memref<160x128xi32, #tpu.memory_space<vmem>> -> memref<1x128xi32, #tpu.memory_space<vmem>>
        %dma_wait3A_218 = tpu.memref_squeeze %dma_wait3A_217 : memref<1x128xi32, #tpu.memory_space<vmem>> -> memref<128xi32, #tpu.memory_space<vmem>>
        %dma_wait3A_219 = arith.constant 0 : i32
        %dma_wait3A_220 = arith.constant 0 : i32
        %dma_wait3A_221 = tpu.memref_slice %arg10[%dma_wait3A_219, %dma_wait3A_220] : memref<10240x64xf32, #tpu.memory_space<vmem_shared>> -> memref<10240x64xf32, #tpu.memory_space<vmem_shared>>
        tpu.wait_indirect_dma semaphore(%run_scoped3A_201 : memref<!tpu.dma_semaphore, #tpu.memory_space<semaphore_mem>>) src(%dma_wait3A_215 : memref<128x64xf32, #tpu.memory_space<vmem>>) dst(%dma_wait3A_221 : memref<10240x64xf32, #tpu.memory_space<vmem_shared>>)
        tpu.yield
      }) : () -> ()
      %add3A_119 = arith.constant 4 : i32
      %add3A_120 = arith.addi %add3A_104, %add3A_119 : i32
      %lt3A_121 = arith.constant 160 : i32
      %lt3A_122 = arith.cmpi slt, %add3A_120, %lt3A_121 : i32
      %convert_element_type3A_123 = arith.extui %lt3A_122 : i1 to i32
      %cond3A_124 = arith.constant 0 : i32
      %cond3A_125 = arith.cmpi ne, %convert_element_type3A_123, %cond3A_124 : i32
      scf.if %cond3A_125 {
        %add3A_201 = arith.constant 4 : i32
        %add3A_202 = arith.addi %add3A_104, %add3A_201 : i32
        %dma_start3A_203 = arith.constant 0 : i32
        %dma_start3A_204 = arith.constant 0 : i32
        %dma_start3A_205 = arith.constant 0 : i32
        %dma_start3A_206 = tpu.memref_slice %arg8[%dma_start3A_203, %dma_start3A_204, %dma_start3A_205] : memref<4x128x64xf32, #tpu.memory_space<vmem>> -> memref<1x128x64xf32, #tpu.memory_space<vmem>>
        %dma_start3A_207 = tpu.memref_squeeze %dma_start3A_206 : memref<1x128x64xf32, #tpu.memory_space<vmem>> -> memref<128x64xf32, #tpu.memory_space<vmem>>
        %dma_start3A_208 = arith.constant 0 : i32
        %dma_start3A_209 = tpu.memref_slice %arg6[%add3A_202, %dma_start3A_208] : memref<160x128xi32, #tpu.memory_space<vmem>> -> memref<1x128xi32, #tpu.memory_space<vmem>>
        %dma_start3A_210 = tpu.memref_squeeze %dma_start3A_209 : memref<1x128xi32, #tpu.memory_space<vmem>> -> memref<128xi32, #tpu.memory_space<vmem>>
        %dma_start3A_211 = arith.constant 0 : i32
        %dma_start3A_212 = arith.constant 0 : i32
        %dma_start3A_213 = tpu.memref_slice %arg2[%arg0, %dma_start3A_211, %dma_start3A_212] : memref<2x10000x64xf32, #tpu.memory_space<hbm>> -> memref<1x10000x64xf32, #tpu.memory_space<hbm>>
        %dma_start3A_214 = tpu.memref_squeeze %dma_start3A_213 : memref<1x10000x64xf32, #tpu.memory_space<hbm>> -> memref<10000x64xf32, #tpu.memory_space<hbm>>
        %dma_start3A_215 = arith.constant 0 : i32
        %dma_start3A_216 = arith.constant 0 : i32
        %dma_start3A_217 = tpu.memref_slice %dma_start3A_214[%dma_start3A_215, %dma_start3A_216] : memref<10000x64xf32, #tpu.memory_space<hbm>> -> memref<10000x64xf32, #tpu.memory_space<hbm>>
        tpu.enqueue_indirect_dma source(%dma_start3A_217 : memref<10000x64xf32, #tpu.memory_space<hbm>>) target(%dma_start3A_207 : memref<128x64xf32, #tpu.memory_space<vmem>>) offsets(%dma_start3A_210 : memref<128xi32, #tpu.memory_space<vmem>>) semaphore(%arg11 : memref<!tpu.dma_semaphore, #tpu.memory_space<semaphore_mem>>)
      } else {
      }
      %add3A_126 = arith.constant 1 : i32
      %add3A_127 = arith.addi %mul3A_102, %add3A_126 : i32
      %dma_wait3A_128 = arith.constant 1 : i32
      %dma_wait3A_129 = arith.constant 0 : i32
      %dma_wait3A_130 = arith.constant 0 : i32
      %dma_wait3A_131 = tpu.memref_slice %arg8[%dma_wait3A_128, %dma_wait3A_129, %dma_wait3A_130] : memref<4x128x64xf32, #tpu.memory_space<vmem>> -> memref<1x128x64xf32, #tpu.memory_space<vmem>>
      %dma_wait3A_132 = tpu.memref_squeeze %dma_wait3A_131 : memref<1x128x64xf32, #tpu.memory_space<vmem>> -> memref<128x64xf32, #tpu.memory_space<vmem>>
      %dma_wait3A_133 = arith.constant 0 : i32
      %dma_wait3A_134 = tpu.memref_slice %arg6[%add3A_127, %dma_wait3A_133] : memref<160x128xi32, #tpu.memory_space<vmem>> -> memref<1x128xi32, #tpu.memory_space<vmem>>
      %dma_wait3A_135 = tpu.memref_squeeze %dma_wait3A_134 : memref<1x128xi32, #tpu.memory_space<vmem>> -> memref<128xi32, #tpu.memory_space<vmem>>
      %dma_wait3A_136 = arith.constant 0 : i32
      %dma_wait3A_137 = arith.constant 0 : i32
      %dma_wait3A_138 = tpu.memref_slice %arg2[%arg0, %dma_wait3A_136, %dma_wait3A_137] : memref<2x10000x64xf32, #tpu.memory_space<hbm>> -> memref<1x10000x64xf32, #tpu.memory_space<hbm>>
      %dma_wait3A_139 = tpu.memref_squeeze %dma_wait3A_138 : memref<1x10000x64xf32, #tpu.memory_space<hbm>> -> memref<10000x64xf32, #tpu.memory_space<hbm>>
      %dma_wait3A_140 = arith.constant 0 : i32
      %dma_wait3A_141 = arith.constant 0 : i32
      %dma_wait3A_142 = tpu.memref_slice %dma_wait3A_139[%dma_wait3A_140, %dma_wait3A_141] : memref<10000x64xf32, #tpu.memory_space<hbm>> -> memref<10000x64xf32, #tpu.memory_space<hbm>>
      tpu.wait_indirect_dma semaphore(%arg12 : memref<!tpu.dma_semaphore, #tpu.memory_space<semaphore_mem>>) src(%dma_wait3A_142 : memref<10000x64xf32, #tpu.memory_space<hbm>>) dst(%dma_wait3A_132 : memref<128x64xf32, #tpu.memory_space<vmem>>)
      %run_scoped3A_143 = arith.constant 1 : i32
      "tpu.region"() ({
        %run_scoped3A_201 = tpu.sem_alloc : memref<!tpu.dma_semaphore, #tpu.memory_space<semaphore_mem>>
        %dma_start3A_202 = arith.constant 0 : i32
        %dma_start3A_203 = arith.constant 0 : i32
        %dma_start3A_204 = tpu.memref_slice %arg8[%run_scoped3A_143, %dma_start3A_202, %dma_start3A_203] : memref<4x128x64xf32, #tpu.memory_space<vmem>> -> memref<1x128x64xf32, #tpu.memory_space<vmem>>
        %dma_start3A_205 = tpu.memref_squeeze %dma_start3A_204 : memref<1x128x64xf32, #tpu.memory_space<vmem>> -> memref<128x64xf32, #tpu.memory_space<vmem>>
        %dma_start3A_206 = arith.constant 0 : i32
        %dma_start3A_207 = tpu.memref_slice %arg7[%add3A_127, %dma_start3A_206] : memref<160x128xi32, #tpu.memory_space<vmem>> -> memref<1x128xi32, #tpu.memory_space<vmem>>
        %dma_start3A_208 = tpu.memref_squeeze %dma_start3A_207 : memref<1x128xi32, #tpu.memory_space<vmem>> -> memref<128xi32, #tpu.memory_space<vmem>>
        %dma_start3A_209 = arith.constant 0 : i32
        %dma_start3A_210 = arith.constant 0 : i32
        %dma_start3A_211 = tpu.memref_slice %arg10[%dma_start3A_209, %dma_start3A_210] : memref<10240x64xf32, #tpu.memory_space<vmem_shared>> -> memref<10240x64xf32, #tpu.memory_space<vmem_shared>>
        tpu.enqueue_indirect_dma source(%dma_start3A_205 : memref<128x64xf32, #tpu.memory_space<vmem>>) target(%dma_start3A_211 : memref<10240x64xf32, #tpu.memory_space<vmem_shared>>) offsets(%dma_start3A_208 : memref<128xi32, #tpu.memory_space<vmem>>) semaphore(%run_scoped3A_201 : memref<!tpu.dma_semaphore, #tpu.memory_space<semaphore_mem>>) {add = true}
        %dma_wait3A_212 = arith.constant 0 : i32
        %dma_wait3A_213 = arith.constant 0 : i32
        %dma_wait3A_214 = tpu.memref_slice %arg8[%run_scoped3A_143, %dma_wait3A_212, %dma_wait3A_213] : memref<4x128x64xf32, #tpu.memory_space<vmem>> -> memref<1x128x64xf32, #tpu.memory_space<vmem>>
        %dma_wait3A_215 = tpu.memref_squeeze %dma_wait3A_214 : memref<1x128x64xf32, #tpu.memory_space<vmem>> -> memref<128x64xf32, #tpu.memory_space<vmem>>
        %dma_wait3A_216 = arith.constant 0 : i32
        %dma_wait3A_217 = tpu.memref_slice %arg7[%add3A_127, %dma_wait3A_216] : memref<160x128xi32, #tpu.memory_space<vmem>> -> memref<1x128xi32, #tpu.memory_space<vmem>>
        %dma_wait3A_218 = tpu.memref_squeeze %dma_wait3A_217 : memref<1x128xi32, #tpu.memory_space<vmem>> -> memref<128xi32, #tpu.memory_space<vmem>>
        %dma_wait3A_219 = arith.constant 0 : i32
        %dma_wait3A_220 = arith.constant 0 : i32
        %dma_wait3A_221 = tpu.memref_slice %arg10[%dma_wait3A_219, %dma_wait3A_220] : memref<10240x64xf32, #tpu.memory_space<vmem_shared>> -> memref<10240x64xf32, #tpu.memory_space<vmem_shared>>
        tpu.wait_indirect_dma semaphore(%run_scoped3A_201 : memref<!tpu.dma_semaphore, #tpu.memory_space<semaphore_mem>>) src(%dma_wait3A_215 : memref<128x64xf32, #tpu.memory_space<vmem>>) dst(%dma_wait3A_221 : memref<10240x64xf32, #tpu.memory_space<vmem_shared>>)
        tpu.yield
      }) : () -> ()
      %add3A_144 = arith.constant 4 : i32
      %add3A_145 = arith.addi %add3A_127, %add3A_144 : i32
      %lt3A_146 = arith.constant 160 : i32
      %lt3A_147 = arith.cmpi slt, %add3A_145, %lt3A_146 : i32
      %convert_element_type3A_148 = arith.extui %lt3A_147 : i1 to i32
      %cond3A_149 = arith.constant 0 : i32
      %cond3A_150 = arith.cmpi ne, %convert_element_type3A_148, %cond3A_149 : i32
      scf.if %cond3A_150 {
        %add3A_201 = arith.constant 4 : i32
        %add3A_202 = arith.addi %add3A_127, %add3A_201 : i32
        %dma_start3A_203 = arith.constant 1 : i32
        %dma_start3A_204 = arith.constant 0 : i32
        %dma_start3A_205 = arith.constant 0 : i32
        %dma_start3A_206 = tpu.memref_slice %arg8[%dma_start3A_203, %dma_start3A_204, %dma_start3A_205] : memref<4x128x64xf32, #tpu.memory_space<vmem>> -> memref<1x128x64xf32, #tpu.memory_space<vmem>>
        %dma_start3A_207 = tpu.memref_squeeze %dma_start3A_206 : memref<1x128x64xf32, #tpu.memory_space<vmem>> -> memref<128x64xf32, #tpu.memory_space<vmem>>
        %dma_start3A_208 = arith.constant 0 : i32
        %dma_start3A_209 = tpu.memref_slice %arg6[%add3A_202, %dma_start3A_208] : memref<160x128xi32, #tpu.memory_space<vmem>> -> memref<1x128xi32, #tpu.memory_space<vmem>>
        %dma_start3A_210 = tpu.memref_squeeze %dma_start3A_209 : memref<1x128xi32, #tpu.memory_space<vmem>> -> memref<128xi32, #tpu.memory_space<vmem>>
        %dma_start3A_211 = arith.constant 0 : i32
        %dma_start3A_212 = arith.constant 0 : i32
        %dma_start3A_213 = tpu.memref_slice %arg2[%arg0, %dma_start3A_211, %dma_start3A_212] : memref<2x10000x64xf32, #tpu.memory_space<hbm>> -> memref<1x10000x64xf32, #tpu.memory_space<hbm>>
        %dma_start3A_214 = tpu.memref_squeeze %dma_start3A_213 : memref<1x10000x64xf32, #tpu.memory_space<hbm>> -> memref<10000x64xf32, #tpu.memory_space<hbm>>
        %dma_start3A_215 = arith.constant 0 : i32
        %dma_start3A_216 = arith.constant 0 : i32
        %dma_start3A_217 = tpu.memref_slice %dma_start3A_214[%dma_start3A_215, %dma_start3A_216] : memref<10000x64xf32, #tpu.memory_space<hbm>> -> memref<10000x64xf32, #tpu.memory_space<hbm>>
        tpu.enqueue_indirect_dma source(%dma_start3A_217 : memref<10000x64xf32, #tpu.memory_space<hbm>>) target(%dma_start3A_207 : memref<128x64xf32, #tpu.memory_space<vmem>>) offsets(%dma_start3A_210 : memref<128xi32, #tpu.memory_space<vmem>>) semaphore(%arg12 : memref<!tpu.dma_semaphore, #tpu.memory_space<semaphore_mem>>)
      } else {
      }
      %add3A_151 = arith.constant 2 : i32
      %add3A_152 = arith.addi %mul3A_102, %add3A_151 : i32
      %dma_wait3A_153 = arith.constant 2 : i32
      %dma_wait3A_154 = arith.constant 0 : i32
      %dma_wait3A_155 = arith.constant 0 : i32
      %dma_wait3A_156 = tpu.memref_slice %arg8[%dma_wait3A_153, %dma_wait3A_154, %dma_wait3A_155] : memref<4x128x64xf32, #tpu.memory_space<vmem>> -> memref<1x128x64xf32, #tpu.memory_space<vmem>>
      %dma_wait3A_157 = tpu.memref_squeeze %dma_wait3A_156 : memref<1x128x64xf32, #tpu.memory_space<vmem>> -> memref<128x64xf32, #tpu.memory_space<vmem>>
      %dma_wait3A_158 = arith.constant 0 : i32
      %dma_wait3A_159 = tpu.memref_slice %arg6[%add3A_152, %dma_wait3A_158] : memref<160x128xi32, #tpu.memory_space<vmem>> -> memref<1x128xi32, #tpu.memory_space<vmem>>
      %dma_wait3A_160 = tpu.memref_squeeze %dma_wait3A_159 : memref<1x128xi32, #tpu.memory_space<vmem>> -> memref<128xi32, #tpu.memory_space<vmem>>
      %dma_wait3A_161 = arith.constant 0 : i32
      %dma_wait3A_162 = arith.constant 0 : i32
      %dma_wait3A_163 = tpu.memref_slice %arg2[%arg0, %dma_wait3A_161, %dma_wait3A_162] : memref<2x10000x64xf32, #tpu.memory_space<hbm>> -> memref<1x10000x64xf32, #tpu.memory_space<hbm>>
      %dma_wait3A_164 = tpu.memref_squeeze %dma_wait3A_163 : memref<1x10000x64xf32, #tpu.memory_space<hbm>> -> memref<10000x64xf32, #tpu.memory_space<hbm>>
      %dma_wait3A_165 = arith.constant 0 : i32
      %dma_wait3A_166 = arith.constant 0 : i32
      %dma_wait3A_167 = tpu.memref_slice %dma_wait3A_164[%dma_wait3A_165, %dma_wait3A_166] : memref<10000x64xf32, #tpu.memory_space<hbm>> -> memref<10000x64xf32, #tpu.memory_space<hbm>>
      tpu.wait_indirect_dma semaphore(%arg13 : memref<!tpu.dma_semaphore, #tpu.memory_space<semaphore_mem>>) src(%dma_wait3A_167 : memref<10000x64xf32, #tpu.memory_space<hbm>>) dst(%dma_wait3A_157 : memref<128x64xf32, #tpu.memory_space<vmem>>)
      %run_scoped3A_168 = arith.constant 2 : i32
      "tpu.region"() ({
        %run_scoped3A_201 = tpu.sem_alloc : memref<!tpu.dma_semaphore, #tpu.memory_space<semaphore_mem>>
        %dma_start3A_202 = arith.constant 0 : i32
        %dma_start3A_203 = arith.constant 0 : i32
        %dma_start3A_204 = tpu.memref_slice %arg8[%run_scoped3A_168, %dma_start3A_202, %dma_start3A_203] : memref<4x128x64xf32, #tpu.memory_space<vmem>> -> memref<1x128x64xf32, #tpu.memory_space<vmem>>
        %dma_start3A_205 = tpu.memref_squeeze %dma_start3A_204 : memref<1x128x64xf32, #tpu.memory_space<vmem>> -> memref<128x64xf32, #tpu.memory_space<vmem>>
        %dma_start3A_206 = arith.constant 0 : i32
        %dma_start3A_207 = tpu.memref_slice %arg7[%add3A_152, %dma_start3A_206] : memref<160x128xi32, #tpu.memory_space<vmem>> -> memref<1x128xi32, #tpu.memory_space<vmem>>
        %dma_start3A_208 = tpu.memref_squeeze %dma_start3A_207 : memref<1x128xi32, #tpu.memory_space<vmem>> -> memref<128xi32, #tpu.memory_space<vmem>>
        %dma_start3A_209 = arith.constant 0 : i32
        %dma_start3A_210 = arith.constant 0 : i32
        %dma_start3A_211 = tpu.memref_slice %arg10[%dma_start3A_209, %dma_start3A_210] : memref<10240x64xf32, #tpu.memory_space<vmem_shared>> -> memref<10240x64xf32, #tpu.memory_space<vmem_shared>>
        tpu.enqueue_indirect_dma source(%dma_start3A_205 : memref<128x64xf32, #tpu.memory_space<vmem>>) target(%dma_start3A_211 : memref<10240x64xf32, #tpu.memory_space<vmem_shared>>) offsets(%dma_start3A_208 : memref<128xi32, #tpu.memory_space<vmem>>) semaphore(%run_scoped3A_201 : memref<!tpu.dma_semaphore, #tpu.memory_space<semaphore_mem>>) {add = true}
        %dma_wait3A_212 = arith.constant 0 : i32
        %dma_wait3A_213 = arith.constant 0 : i32
        %dma_wait3A_214 = tpu.memref_slice %arg8[%run_scoped3A_168, %dma_wait3A_212, %dma_wait3A_213] : memref<4x128x64xf32, #tpu.memory_space<vmem>> -> memref<1x128x64xf32, #tpu.memory_space<vmem>>
        %dma_wait3A_215 = tpu.memref_squeeze %dma_wait3A_214 : memref<1x128x64xf32, #tpu.memory_space<vmem>> -> memref<128x64xf32, #tpu.memory_space<vmem>>
        %dma_wait3A_216 = arith.constant 0 : i32
        %dma_wait3A_217 = tpu.memref_slice %arg7[%add3A_152, %dma_wait3A_216] : memref<160x128xi32, #tpu.memory_space<vmem>> -> memref<1x128xi32, #tpu.memory_space<vmem>>
        %dma_wait3A_218 = tpu.memref_squeeze %dma_wait3A_217 : memref<1x128xi32, #tpu.memory_space<vmem>> -> memref<128xi32, #tpu.memory_space<vmem>>
        %dma_wait3A_219 = arith.constant 0 : i32
        %dma_wait3A_220 = arith.constant 0 : i32
        %dma_wait3A_221 = tpu.memref_slice %arg10[%dma_wait3A_219, %dma_wait3A_220] : memref<10240x64xf32, #tpu.memory_space<vmem_shared>> -> memref<10240x64xf32, #tpu.memory_space<vmem_shared>>
        tpu.wait_indirect_dma semaphore(%run_scoped3A_201 : memref<!tpu.dma_semaphore, #tpu.memory_space<semaphore_mem>>) src(%dma_wait3A_215 : memref<128x64xf32, #tpu.memory_space<vmem>>) dst(%dma_wait3A_221 : memref<10240x64xf32, #tpu.memory_space<vmem_shared>>)
        tpu.yield
      }) : () -> ()
      %add3A_169 = arith.constant 4 : i32
      %add3A_170 = arith.addi %add3A_152, %add3A_169 : i32
      %lt3A_171 = arith.constant 160 : i32
      %lt3A_172 = arith.cmpi slt, %add3A_170, %lt3A_171 : i32
      %convert_element_type3A_173 = arith.extui %lt3A_172 : i1 to i32
      %cond3A_174 = arith.constant 0 : i32
      %cond3A_175 = arith.cmpi ne, %convert_element_type3A_173, %cond3A_174 : i32
      scf.if %cond3A_175 {
        %add3A_201 = arith.constant 4 : i32
        %add3A_202 = arith.addi %add3A_152, %add3A_201 : i32
        %dma_start3A_203 = arith.constant 2 : i32
        %dma_start3A_204 = arith.constant 0 : i32
        %dma_start3A_205 = arith.constant 0 : i32
        %dma_start3A_206 = tpu.memref_slice %arg8[%dma_start3A_203, %dma_start3A_204, %dma_start3A_205] : memref<4x128x64xf32, #tpu.memory_space<vmem>> -> memref<1x128x64xf32, #tpu.memory_space<vmem>>
        %dma_start3A_207 = tpu.memref_squeeze %dma_start3A_206 : memref<1x128x64xf32, #tpu.memory_space<vmem>> -> memref<128x64xf32, #tpu.memory_space<vmem>>
        %dma_start3A_208 = arith.constant 0 : i32
        %dma_start3A_209 = tpu.memref_slice %arg6[%add3A_202, %dma_start3A_208] : memref<160x128xi32, #tpu.memory_space<vmem>> -> memref<1x128xi32, #tpu.memory_space<vmem>>
        %dma_start3A_210 = tpu.memref_squeeze %dma_start3A_209 : memref<1x128xi32, #tpu.memory_space<vmem>> -> memref<128xi32, #tpu.memory_space<vmem>>
        %dma_start3A_211 = arith.constant 0 : i32
        %dma_start3A_212 = arith.constant 0 : i32
        %dma_start3A_213 = tpu.memref_slice %arg2[%arg0, %dma_start3A_211, %dma_start3A_212] : memref<2x10000x64xf32, #tpu.memory_space<hbm>> -> memref<1x10000x64xf32, #tpu.memory_space<hbm>>
        %dma_start3A_214 = tpu.memref_squeeze %dma_start3A_213 : memref<1x10000x64xf32, #tpu.memory_space<hbm>> -> memref<10000x64xf32, #tpu.memory_space<hbm>>
        %dma_start3A_215 = arith.constant 0 : i32
        %dma_start3A_216 = arith.constant 0 : i32
        %dma_start3A_217 = tpu.memref_slice %dma_start3A_214[%dma_start3A_215, %dma_start3A_216] : memref<10000x64xf32, #tpu.memory_space<hbm>> -> memref<10000x64xf32, #tpu.memory_space<hbm>>
        tpu.enqueue_indirect_dma source(%dma_start3A_217 : memref<10000x64xf32, #tpu.memory_space<hbm>>) target(%dma_start3A_207 : memref<128x64xf32, #tpu.memory_space<vmem>>) offsets(%dma_start3A_210 : memref<128xi32, #tpu.memory_space<vmem>>) semaphore(%arg13 : memref<!tpu.dma_semaphore, #tpu.memory_space<semaphore_mem>>)
      } else {
      }
      %add3A_176 = arith.constant 3 : i32
      %add3A_177 = arith.addi %mul3A_102, %add3A_176 : i32
      %dma_wait3A_178 = arith.constant 3 : i32
      %dma_wait3A_179 = arith.constant 0 : i32
      %dma_wait3A_180 = arith.constant 0 : i32
      %dma_wait3A_181 = tpu.memref_slice %arg8[%dma_wait3A_178, %dma_wait3A_179, %dma_wait3A_180] : memref<4x128x64xf32, #tpu.memory_space<vmem>> -> memref<1x128x64xf32, #tpu.memory_space<vmem>>
      %dma_wait3A_182 = tpu.memref_squeeze %dma_wait3A_181 : memref<1x128x64xf32, #tpu.memory_space<vmem>> -> memref<128x64xf32, #tpu.memory_space<vmem>>
      %dma_wait3A_183 = arith.constant 0 : i32
      %dma_wait3A_184 = tpu.memref_slice %arg6[%add3A_177, %dma_wait3A_183] : memref<160x128xi32, #tpu.memory_space<vmem>> -> memref<1x128xi32, #tpu.memory_space<vmem>>
      %dma_wait3A_185 = tpu.memref_squeeze %dma_wait3A_184 : memref<1x128xi32, #tpu.memory_space<vmem>> -> memref<128xi32, #tpu.memory_space<vmem>>
      %dma_wait3A_186 = arith.constant 0 : i32
      %dma_wait3A_187 = arith.constant 0 : i32
      %dma_wait3A_188 = tpu.memref_slice %arg2[%arg0, %dma_wait3A_186, %dma_wait3A_187] : memref<2x10000x64xf32, #tpu.memory_space<hbm>> -> memref<1x10000x64xf32, #tpu.memory_space<hbm>>
      %dma_wait3A_189 = tpu.memref_squeeze %dma_wait3A_188 : memref<1x10000x64xf32, #tpu.memory_space<hbm>> -> memref<10000x64xf32, #tpu.memory_space<hbm>>
      %dma_wait3A_190 = arith.constant 0 : i32
      %dma_wait3A_191 = arith.constant 0 : i32
      %dma_wait3A_192 = tpu.memref_slice %dma_wait3A_189[%dma_wait3A_190, %dma_wait3A_191] : memref<10000x64xf32, #tpu.memory_space<hbm>> -> memref<10000x64xf32, #tpu.memory_space<hbm>>
      tpu.wait_indirect_dma semaphore(%arg14 : memref<!tpu.dma_semaphore, #tpu.memory_space<semaphore_mem>>) src(%dma_wait3A_192 : memref<10000x64xf32, #tpu.memory_space<hbm>>) dst(%dma_wait3A_182 : memref<128x64xf32, #tpu.memory_space<vmem>>)
      %run_scoped3A_193 = arith.constant 3 : i32
      "tpu.region"() ({
        %run_scoped3A_201 = tpu.sem_alloc : memref<!tpu.dma_semaphore, #tpu.memory_space<semaphore_mem>>
        %dma_start3A_202 = arith.constant 0 : i32
        %dma_start3A_203 = arith.constant 0 : i32
        %dma_start3A_204 = tpu.memref_slice %arg8[%run_scoped3A_193, %dma_start3A_202, %dma_start3A_203] : memref<4x128x64xf32, #tpu.memory_space<vmem>> -> memref<1x128x64xf32, #tpu.memory_space<vmem>>
        %dma_start3A_205 = tpu.memref_squeeze %dma_start3A_204 : memref<1x128x64xf32, #tpu.memory_space<vmem>> -> memref<128x64xf32, #tpu.memory_space<vmem>>
        %dma_start3A_206 = arith.constant 0 : i32
        %dma_start3A_207 = tpu.memref_slice %arg7[%add3A_177, %dma_start3A_206] : memref<160x128xi32, #tpu.memory_space<vmem>> -> memref<1x128xi32, #tpu.memory_space<vmem>>
        %dma_start3A_208 = tpu.memref_squeeze %dma_start3A_207 : memref<1x128xi32, #tpu.memory_space<vmem>> -> memref<128xi32, #tpu.memory_space<vmem>>
        %dma_start3A_209 = arith.constant 0 : i32
        %dma_start3A_210 = arith.constant 0 : i32
        %dma_start3A_211 = tpu.memref_slice %arg10[%dma_start3A_209, %dma_start3A_210] : memref<10240x64xf32, #tpu.memory_space<vmem_shared>> -> memref<10240x64xf32, #tpu.memory_space<vmem_shared>>
        tpu.enqueue_indirect_dma source(%dma_start3A_205 : memref<128x64xf32, #tpu.memory_space<vmem>>) target(%dma_start3A_211 : memref<10240x64xf32, #tpu.memory_space<vmem_shared>>) offsets(%dma_start3A_208 : memref<128xi32, #tpu.memory_space<vmem>>) semaphore(%run_scoped3A_201 : memref<!tpu.dma_semaphore, #tpu.memory_space<semaphore_mem>>) {add = true}
        %dma_wait3A_212 = arith.constant 0 : i32
        %dma_wait3A_213 = arith.constant 0 : i32
        %dma_wait3A_214 = tpu.memref_slice %arg8[%run_scoped3A_193, %dma_wait3A_212, %dma_wait3A_213] : memref<4x128x64xf32, #tpu.memory_space<vmem>> -> memref<1x128x64xf32, #tpu.memory_space<vmem>>
        %dma_wait3A_215 = tpu.memref_squeeze %dma_wait3A_214 : memref<1x128x64xf32, #tpu.memory_space<vmem>> -> memref<128x64xf32, #tpu.memory_space<vmem>>
        %dma_wait3A_216 = arith.constant 0 : i32
        %dma_wait3A_217 = tpu.memref_slice %arg7[%add3A_177, %dma_wait3A_216] : memref<160x128xi32, #tpu.memory_space<vmem>> -> memref<1x128xi32, #tpu.memory_space<vmem>>
        %dma_wait3A_218 = tpu.memref_squeeze %dma_wait3A_217 : memref<1x128xi32, #tpu.memory_space<vmem>> -> memref<128xi32, #tpu.memory_space<vmem>>
        %dma_wait3A_219 = arith.constant 0 : i32
        %dma_wait3A_220 = arith.constant 0 : i32
        %dma_wait3A_221 = tpu.memref_slice %arg10[%dma_wait3A_219, %dma_wait3A_220] : memref<10240x64xf32, #tpu.memory_space<vmem_shared>> -> memref<10240x64xf32, #tpu.memory_space<vmem_shared>>
        tpu.wait_indirect_dma semaphore(%run_scoped3A_201 : memref<!tpu.dma_semaphore, #tpu.memory_space<semaphore_mem>>) src(%dma_wait3A_215 : memref<128x64xf32, #tpu.memory_space<vmem>>) dst(%dma_wait3A_221 : memref<10240x64xf32, #tpu.memory_space<vmem_shared>>)
        tpu.yield
      }) : () -> ()
      %add3A_194 = arith.constant 4 : i32
      %add3A_195 = arith.addi %add3A_177, %add3A_194 : i32
      %lt3A_196 = arith.constant 160 : i32
      %lt3A_197 = arith.cmpi slt, %add3A_195, %lt3A_196 : i32
      %convert_element_type3A_198 = arith.extui %lt3A_197 : i1 to i32
      %cond3A_199 = arith.constant 0 : i32
      %cond3A_200 = arith.cmpi ne, %convert_element_type3A_198, %cond3A_199 : i32
      scf.if %cond3A_200 {
        %add3A_201 = arith.constant 4 : i32
        %add3A_202 = arith.addi %add3A_177, %add3A_201 : i32
        %dma_start3A_203 = arith.constant 3 : i32
        %dma_start3A_204 = arith.constant 0 : i32
        %dma_start3A_205 = arith.constant 0 : i32
        %dma_start3A_206 = tpu.memref_slice %arg8[%dma_start3A_203, %dma_start3A_204, %dma_start3A_205] : memref<4x128x64xf32, #tpu.memory_space<vmem>> -> memref<1x128x64xf32, #tpu.memory_space<vmem>>
        %dma_start3A_207 = tpu.memref_squeeze %dma_start3A_206 : memref<1x128x64xf32, #tpu.memory_space<vmem>> -> memref<128x64xf32, #tpu.memory_space<vmem>>
        %dma_start3A_208 = arith.constant 0 : i32
        %dma_start3A_209 = tpu.memref_slice %arg6[%add3A_202, %dma_start3A_208] : memref<160x128xi32, #tpu.memory_space<vmem>> -> memref<1x128xi32, #tpu.memory_space<vmem>>
        %dma_start3A_210 = tpu.memref_squeeze %dma_start3A_209 : memref<1x128xi32, #tpu.memory_space<vmem>> -> memref<128xi32, #tpu.memory_space<vmem>>
        %dma_start3A_211 = arith.constant 0 : i32
        %dma_start3A_212 = arith.constant 0 : i32
        %dma_start3A_213 = tpu.memref_slice %arg2[%arg0, %dma_start3A_211, %dma_start3A_212] : memref<2x10000x64xf32, #tpu.memory_space<hbm>> -> memref<1x10000x64xf32, #tpu.memory_space<hbm>>
        %dma_start3A_214 = tpu.memref_squeeze %dma_start3A_213 : memref<1x10000x64xf32, #tpu.memory_space<hbm>> -> memref<10000x64xf32, #tpu.memory_space<hbm>>
        %dma_start3A_215 = arith.constant 0 : i32
        %dma_start3A_216 = arith.constant 0 : i32
        %dma_start3A_217 = tpu.memref_slice %dma_start3A_214[%dma_start3A_215, %dma_start3A_216] : memref<10000x64xf32, #tpu.memory_space<hbm>> -> memref<10000x64xf32, #tpu.memory_space<hbm>>
        tpu.enqueue_indirect_dma source(%dma_start3A_217 : memref<10000x64xf32, #tpu.memory_space<hbm>>) target(%dma_start3A_207 : memref<128x64xf32, #tpu.memory_space<vmem>>) offsets(%dma_start3A_210 : memref<128xi32, #tpu.memory_space<vmem>>) semaphore(%arg14 : memref<!tpu.dma_semaphore, #tpu.memory_space<semaphore_mem>>)
      } else {
      }
    }
    %scan3A_90 = arith.constant 40 : i32
    %barrier3A_91 = arith.constant 0 : index
    tpu.barrier barrier_id(%barrier3A_91)
    %mul3A_92 = arith.constant 640 : i32
    %mul3A_93 = arith.muli %arg1, %mul3A_92 : i32
    %lt3A = arith.constant 15 : i32
    %lt3A_94 = arith.cmpi slt, %arg1, %lt3A : i32
    %convert_element_type3A = arith.extui %lt3A_94 : i1 to i32
    %cond3A = arith.constant 0 : i32
    %cond3A_95 = arith.cmpi ne, %convert_element_type3A, %cond3A : i32
    scf.if %cond3A_95 {
      "tpu.region"() ({
        %run_scoped3A = tpu.sem_alloc : memref<!tpu.dma_semaphore, #tpu.memory_space<semaphore_mem>>
        %dma_start3A_100 = arith.constant 0 : i32
        %dma_start3A_101 = tpu.memref_slice %arg5[%arg0, %mul3A_93, %dma_start3A_100] : memref<2x10000x64xf32, #tpu.memory_space<hbm>> -> memref<1x640x64xf32, #tpu.memory_space<hbm>>
        %dma_start3A_102 = tpu.memref_squeeze %dma_start3A_101 : memref<1x640x64xf32, #tpu.memory_space<hbm>> -> memref<640x64xf32, #tpu.memory_space<hbm>>
        %dma_start3A_103 = arith.constant 0 : i32
        %dma_start3A_104 = tpu.memref_slice %arg10[%mul3A_93, %dma_start3A_103] : memref<10240x64xf32, #tpu.memory_space<vmem_shared>> -> memref<640x64xf32, #tpu.memory_space<vmem_shared>>
        tpu.enqueue_dma source(%dma_start3A_104 : memref<640x64xf32, #tpu.memory_space<vmem_shared>>) target(%dma_start3A_102 : memref<640x64xf32, #tpu.memory_space<hbm>>) target_semaphore(%run_scoped3A : memref<!tpu.dma_semaphore, #tpu.memory_space<semaphore_mem>>)
        %dma_wait3A = arith.constant 0 : i32
        %dma_wait3A_105 = tpu.memref_slice %arg5[%arg0, %mul3A_93, %dma_wait3A] : memref<2x10000x64xf32, #tpu.memory_space<hbm>> -> memref<1x640x64xf32, #tpu.memory_space<hbm>>
        %dma_wait3A_106 = tpu.memref_squeeze %dma_wait3A_105 : memref<1x640x64xf32, #tpu.memory_space<hbm>> -> memref<640x64xf32, #tpu.memory_space<hbm>>
        %dma_wait3A_107 = arith.constant 0 : i32
        %dma_wait3A_108 = tpu.memref_slice %arg10[%mul3A_93, %dma_wait3A_107] : memref<10240x64xf32, #tpu.memory_space<vmem_shared>> -> memref<640x64xf32, #tpu.memory_space<vmem_shared>>
        tpu.wait_dma2 semaphore(%run_scoped3A : memref<!tpu.dma_semaphore, #tpu.memory_space<semaphore_mem>>) src(%dma_wait3A_108 : memref<640x64xf32, #tpu.memory_space<vmem_shared>>) dst(%dma_wait3A_106 : memref<640x64xf32, #tpu.memory_space<hbm>>)
        tpu.yield
      }) : () -> ()
    } else {
    }
    %eq3A = arith.constant 15 : i32
    %eq3A_96 = arith.cmpi eq, %arg1, %eq3A : i32
    %convert_element_type3A_97 = arith.extui %eq3A_96 : i1 to i32
    %cond3A_98 = arith.constant 0 : i32
    %cond3A_99 = arith.cmpi ne, %convert_element_type3A_97, %cond3A_98 : i32
    scf.if %cond3A_99 {
      "tpu.region"() ({
        %run_scoped3A = tpu.sem_alloc : memref<!tpu.dma_semaphore, #tpu.memory_space<semaphore_mem>>
        %dma_start3A_100 = arith.constant 0 : i32
        %dma_start3A_101 = tpu.memref_slice %arg5[%arg0, %mul3A_93, %dma_start3A_100] : memref<2x10000x64xf32, #tpu.memory_space<hbm>> -> memref<1x400x64xf32, #tpu.memory_space<hbm>>
        %dma_start3A_102 = tpu.memref_squeeze %dma_start3A_101 : memref<1x400x64xf32, #tpu.memory_space<hbm>> -> memref<400x64xf32, #tpu.memory_space<hbm>>
        %dma_start3A_103 = arith.constant 0 : i32
        %dma_start3A_104 = tpu.memref_slice %arg10[%mul3A_93, %dma_start3A_103] : memref<10240x64xf32, #tpu.memory_space<vmem_shared>> -> memref<400x64xf32, #tpu.memory_space<vmem_shared>>
        tpu.enqueue_dma source(%dma_start3A_104 : memref<400x64xf32, #tpu.memory_space<vmem_shared>>) target(%dma_start3A_102 : memref<400x64xf32, #tpu.memory_space<hbm>>) target_semaphore(%run_scoped3A : memref<!tpu.dma_semaphore, #tpu.memory_space<semaphore_mem>>)
        %dma_wait3A = arith.constant 0 : i32
        %dma_wait3A_105 = tpu.memref_slice %arg5[%arg0, %mul3A_93, %dma_wait3A] : memref<2x10000x64xf32, #tpu.memory_space<hbm>> -> memref<1x400x64xf32, #tpu.memory_space<hbm>>
        %dma_wait3A_106 = tpu.memref_squeeze %dma_wait3A_105 : memref<1x400x64xf32, #tpu.memory_space<hbm>> -> memref<400x64xf32, #tpu.memory_space<hbm>>
        %dma_wait3A_107 = arith.constant 0 : i32
        %dma_wait3A_108 = tpu.memref_slice %arg10[%mul3A_93, %dma_wait3A_107] : memref<10240x64xf32, #tpu.memory_space<vmem_shared>> -> memref<400x64xf32, #tpu.memory_space<vmem_shared>>
        tpu.wait_dma2 semaphore(%run_scoped3A : memref<!tpu.dma_semaphore, #tpu.memory_space<semaphore_mem>>) src(%dma_wait3A_108 : memref<400x64xf32, #tpu.memory_space<vmem_shared>>) dst(%dma_wait3A_106 : memref<400x64xf32, #tpu.memory_space<hbm>>)
        tpu.yield
      }) : () -> ()
    } else {
    }
    return
  }
}

module attributes {stable_mosaic.version = 14 : i64} {
  func.func @_dense_body(%arg0: i32, %arg1: memref<2x1000x64xf32, #tpu.memory_space<vmem>>, %arg2: memref<2x1000x64xf32, #tpu.memory_space<vmem>>, %arg3: memref<128x128xf32, #tpu.memory_space<vmem>>, %arg4: memref<128x128xf32, #tpu.memory_space<vmem>>, %arg5: memref<1x128xf32, #tpu.memory_space<vmem>>, %arg6: memref<1000x128xf32, #tpu.memory_space<vmem>>) attributes {dimension_semantics = [#tpu.dimension_semantics<arbitrary>], iteration_bounds = array<i64: 10>, scalar_prefetch = 0 : i64, scratch_operands = 0 : i64, tpu.core_type = #tpu.core_type<tc>, window_params = [{transform_indices = @transform_0, window_bounds = array<i64: 2, 1000, 64>}, {transform_indices = @transform_1, window_bounds = array<i64: 2, 1000, 64>}, {pipeline_mode = #tpu.pipeline_mode<synchronous>, transform_indices = @transform_2, window_bounds = array<i64: 128, 128>}, {pipeline_mode = #tpu.pipeline_mode<synchronous>, transform_indices = @transform_3, window_bounds = array<i64: 128, 128>}, {pipeline_mode = #tpu.pipeline_mode<synchronous>, transform_indices = @transform_4, window_bounds = array<i64: 1, 128>}, {transform_indices = @transform_5, window_bounds = array<i64: 1000, 128>}]} {
    %get3A = arith.constant 0 : index
    %get3A_0 = arith.constant 0 : index
    %get3A_1 = arith.constant 0 : index
    %get3A_2 = vector.load %arg1[%get3A, %get3A_0, %get3A_1] : memref<2x1000x64xf32, #tpu.memory_space<vmem>>, vector<1x1000x64xf32>
    %get3A_3 = vector.shape_cast %get3A_2 : vector<1x1000x64xf32> to vector<1000x64xf32>
    %get3A_4 = arith.constant 1 : index
    %get3A_5 = arith.constant 0 : index
    %get3A_6 = arith.constant 0 : index
    %get3A_7 = vector.load %arg1[%get3A_4, %get3A_5, %get3A_6] : memref<2x1000x64xf32, #tpu.memory_space<vmem>>, vector<1x1000x64xf32>
    %get3A_8 = vector.shape_cast %get3A_7 : vector<1x1000x64xf32> to vector<1000x64xf32>
    %concatenate3A = tpu.concatenate %get3A_3, %get3A_8 in 1 : vector<1000x64xf32>, vector<1000x64xf32> -> vector<1000x128xf32>
    %get3A_9 = arith.constant 0 : index
    %get3A_10 = arith.constant 0 : index
    %get3A_11 = vector.load %arg3[%get3A_9, %get3A_10] : memref<128x128xf32, #tpu.memory_space<vmem>>, vector<128x128xf32>
    %dot_general3A = arith.constant dense<0.000000e+00> : vector<1000x128xf32>
    %dot_general3A_12 = tpu.matmul %concatenate3A, %get3A_11, %dot_general3A {dimension_numbers = #tpu.dot_dimension_numbers<[1], [0], [0], [1], [0, 0, 1, 1], [], []>, precision = #tpu.contract_precision<fp32>, transpose_lhs_hint = false} : vector<1000x128xf32>, vector<128x128xf32>, vector<1000x128xf32> -> vector<1000x128xf32>
    %get3A_13 = arith.constant 0 : index
    %get3A_14 = arith.constant 0 : index
    %get3A_15 = arith.constant 0 : index
    %get3A_16 = vector.load %arg2[%get3A_13, %get3A_14, %get3A_15] : memref<2x1000x64xf32, #tpu.memory_space<vmem>>, vector<1x1000x64xf32>
    %get3A_17 = vector.shape_cast %get3A_16 : vector<1x1000x64xf32> to vector<1000x64xf32>
    %get3A_18 = arith.constant 1 : index
    %get3A_19 = arith.constant 0 : index
    %get3A_20 = arith.constant 0 : index
    %get3A_21 = vector.load %arg2[%get3A_18, %get3A_19, %get3A_20] : memref<2x1000x64xf32, #tpu.memory_space<vmem>>, vector<1x1000x64xf32>
    %get3A_22 = vector.shape_cast %get3A_21 : vector<1x1000x64xf32> to vector<1000x64xf32>
    %concatenate3A_23 = tpu.concatenate %get3A_17, %get3A_22 in 1 : vector<1000x64xf32>, vector<1000x64xf32> -> vector<1000x128xf32>
    %get3A_24 = arith.constant 0 : index
    %get3A_25 = arith.constant 0 : index
    %get3A_26 = vector.load %arg4[%get3A_24, %get3A_25] : memref<128x128xf32, #tpu.memory_space<vmem>>, vector<128x128xf32>
    %dot_general3A_27 = arith.constant dense<0.000000e+00> : vector<1000x128xf32>
    %dot_general3A_28 = tpu.matmul %concatenate3A_23, %get3A_26, %dot_general3A_27 {dimension_numbers = #tpu.dot_dimension_numbers<[1], [0], [0], [1], [0, 0, 1, 1], [], []>, precision = #tpu.contract_precision<fp32>, transpose_lhs_hint = false} : vector<1000x128xf32>, vector<128x128xf32>, vector<1000x128xf32> -> vector<1000x128xf32>
    %add3A = arith.addf %dot_general3A_12, %dot_general3A_28 : vector<1000x128xf32>
    %get3A_29 = arith.constant 0 : index
    %get3A_30 = arith.constant 0 : index
    %get3A_31 = vector.load %arg5[%get3A_29, %get3A_30] : memref<1x128xf32, #tpu.memory_space<vmem>>, vector<1x128xf32>
    %add3A_32 = vector.broadcast %get3A_31 : vector<1x128xf32> to vector<1000x128xf32>
    %add3A_33 = arith.addf %add3A, %add3A_32 : vector<1000x128xf32>
    %swap3A = arith.constant 0 : index
    %swap3A_34 = arith.constant 0 : index
    %swap3A_35 = vector.load %arg6[%swap3A, %swap3A_34] : memref<1000x128xf32, #tpu.memory_space<vmem>>, vector<1000x128xf32>
    tpu.vector_store %arg6[%swap3A, %swap3A_34], %add3A_33 {strides = array<i32>} : memref<1000x128xf32, #tpu.memory_space<vmem>>, vector<1000x128xf32>,
    return
  }
  func.func @transform_0(%arg0: i32) -> (i32, i32, i32) {
    %c0_i32 = arith.constant 0 : i32
    %c0_i32_0 = arith.constant 0 : i32
    %c0_i32_1 = arith.constant 0 : i32
    return %c0_i32, %arg0, %c0_i32_0 : i32, i32, i32
  }
  func.func @transform_1(%arg0: i32) -> (i32, i32, i32) {
    %c0_i32 = arith.constant 0 : i32
    %c0_i32_0 = arith.constant 0 : i32
    %c0_i32_1 = arith.constant 0 : i32
    return %c0_i32, %arg0, %c0_i32_0 : i32, i32, i32
  }
  func.func @transform_2(%arg0: i32) -> (i32, i32) {
    %c0_i32 = arith.constant 0 : i32
    %c0_i32_0 = arith.constant 0 : i32
    %c0_i32_1 = arith.constant 0 : i32
    return %c0_i32, %c0_i32_0 : i32, i32
  }
  func.func @transform_3(%arg0: i32) -> (i32, i32) {
    %c0_i32 = arith.constant 0 : i32
    %c0_i32_0 = arith.constant 0 : i32
    %c0_i32_1 = arith.constant 0 : i32
    return %c0_i32, %c0_i32_0 : i32, i32
  }
  func.func @transform_4(%arg0: i32) -> (i32, i32) {
    %c0_i32 = arith.constant 0 : i32
    %c0_i32_0 = arith.constant 0 : i32
    %c0_i32_1 = arith.constant 0 : i32
    return %c0_i32, %c0_i32_0 : i32, i32
  }
  func.func @transform_5(%arg0: i32) -> (i32, i32) {
    %c0_i32 = arith.constant 0 : i32
    %c0_i32_0 = arith.constant 0 : i32
    return %arg0, %c0_i32 : i32, i32
  }
}

module attributes {stable_mosaic.version = 14 : i64} {
  func.func @_dense_body(%arg0: i32, %arg1: memref<2x1000x64xf32, #tpu.memory_space<vmem>>, %arg2: memref<2x1000x64xf32, #tpu.memory_space<vmem>>, %arg3: memref<128x128xf32, #tpu.memory_space<vmem>>, %arg4: memref<128x128xf32, #tpu.memory_space<vmem>>, %arg5: memref<1x128xf32, #tpu.memory_space<vmem>>, %arg6: memref<2x1000x64xf32, #tpu.memory_space<vmem>>) attributes {dimension_semantics = [#tpu.dimension_semantics<arbitrary>], iteration_bounds = array<i64: 10>, scalar_prefetch = 0 : i64, scratch_operands = 0 : i64, tpu.core_type = #tpu.core_type<tc>, window_params = [{transform_indices = @transform_0, window_bounds = array<i64: 2, 1000, 64>}, {transform_indices = @transform_1, window_bounds = array<i64: 2, 1000, 64>}, {pipeline_mode = #tpu.pipeline_mode<synchronous>, transform_indices = @transform_2, window_bounds = array<i64: 128, 128>}, {pipeline_mode = #tpu.pipeline_mode<synchronous>, transform_indices = @transform_3, window_bounds = array<i64: 128, 128>}, {pipeline_mode = #tpu.pipeline_mode<synchronous>, transform_indices = @transform_4, window_bounds = array<i64: 1, 128>}, {transform_indices = @transform_5, window_bounds = array<i64: 2, 1000, 64>}]} {
    %get3A = arith.constant 0 : index
    %get3A_0 = arith.constant 0 : index
    %get3A_1 = arith.constant 0 : index
    %get3A_2 = vector.load %arg1[%get3A, %get3A_0, %get3A_1] : memref<2x1000x64xf32, #tpu.memory_space<vmem>>, vector<1x1000x64xf32>
    %get3A_3 = vector.shape_cast %get3A_2 : vector<1x1000x64xf32> to vector<1000x64xf32>
    %get3A_4 = arith.constant 1 : index
    %get3A_5 = arith.constant 0 : index
    %get3A_6 = arith.constant 0 : index
    %get3A_7 = vector.load %arg1[%get3A_4, %get3A_5, %get3A_6] : memref<2x1000x64xf32, #tpu.memory_space<vmem>>, vector<1x1000x64xf32>
    %get3A_8 = vector.shape_cast %get3A_7 : vector<1x1000x64xf32> to vector<1000x64xf32>
    %concatenate3A = tpu.concatenate %get3A_3, %get3A_8 in 1 : vector<1000x64xf32>, vector<1000x64xf32> -> vector<1000x128xf32>
    %get3A_9 = arith.constant 0 : index
    %get3A_10 = arith.constant 0 : index
    %get3A_11 = vector.load %arg3[%get3A_9, %get3A_10] : memref<128x128xf32, #tpu.memory_space<vmem>>, vector<128x128xf32>
    %dot_general3A = arith.constant dense<0.000000e+00> : vector<1000x128xf32>
    %dot_general3A_12 = tpu.matmul %concatenate3A, %get3A_11, %dot_general3A {dimension_numbers = #tpu.dot_dimension_numbers<[1], [0], [0], [1], [0, 0, 1, 1], [], []>, precision = #tpu.contract_precision<fp32>, transpose_lhs_hint = false} : vector<1000x128xf32>, vector<128x128xf32>, vector<1000x128xf32> -> vector<1000x128xf32>
    %get3A_13 = arith.constant 0 : index
    %get3A_14 = arith.constant 0 : index
    %get3A_15 = arith.constant 0 : index
    %get3A_16 = vector.load %arg2[%get3A_13, %get3A_14, %get3A_15] : memref<2x1000x64xf32, #tpu.memory_space<vmem>>, vector<1x1000x64xf32>
    %get3A_17 = vector.shape_cast %get3A_16 : vector<1x1000x64xf32> to vector<1000x64xf32>
    %get3A_18 = arith.constant 1 : index
    %get3A_19 = arith.constant 0 : index
    %get3A_20 = arith.constant 0 : index
    %get3A_21 = vector.load %arg2[%get3A_18, %get3A_19, %get3A_20] : memref<2x1000x64xf32, #tpu.memory_space<vmem>>, vector<1x1000x64xf32>
    %get3A_22 = vector.shape_cast %get3A_21 : vector<1x1000x64xf32> to vector<1000x64xf32>
    %concatenate3A_23 = tpu.concatenate %get3A_17, %get3A_22 in 1 : vector<1000x64xf32>, vector<1000x64xf32> -> vector<1000x128xf32>
    %get3A_24 = arith.constant 0 : index
    %get3A_25 = arith.constant 0 : index
    %get3A_26 = vector.load %arg4[%get3A_24, %get3A_25] : memref<128x128xf32, #tpu.memory_space<vmem>>, vector<128x128xf32>
    %dot_general3A_27 = arith.constant dense<0.000000e+00> : vector<1000x128xf32>
    %dot_general3A_28 = tpu.matmul %concatenate3A_23, %get3A_26, %dot_general3A_27 {dimension_numbers = #tpu.dot_dimension_numbers<[1], [0], [0], [1], [0, 0, 1, 1], [], []>, precision = #tpu.contract_precision<fp32>, transpose_lhs_hint = false} : vector<1000x128xf32>, vector<128x128xf32>, vector<1000x128xf32> -> vector<1000x128xf32>
    %add3A = arith.addf %dot_general3A_12, %dot_general3A_28 : vector<1000x128xf32>
    %get3A_29 = arith.constant 0 : index
    %get3A_30 = arith.constant 0 : index
    %get3A_31 = vector.load %arg5[%get3A_29, %get3A_30] : memref<1x128xf32, #tpu.memory_space<vmem>>, vector<1x128xf32>
    %add3A_32 = vector.broadcast %get3A_31 : vector<1x128xf32> to vector<1000x128xf32>
    %add3A_33 = arith.addf %add3A, %add3A_32 : vector<1000x128xf32>
    %max3A = arith.constant 0.000000e+00 : f32
    %max3A_34 = vector.broadcast %max3A : f32 to vector<1000x128xf32>
    %max3A_35 = arith.maximumf %add3A_33, %max3A_34 : vector<1000x128xf32>
    %slice3A = vector.extract_strided_slice %max3A_35 {offsets = [0, 0], sizes = [1000, 64], strides = [1, 1]} : vector<1000x128xf32> to vector<1000x64xf32>
    %swap3A = arith.constant 0 : index
    %swap3A_36 = arith.constant 0 : index
    %swap3A_37 = arith.constant 0 : index
    %swap3A_38 = vector.load %arg6[%swap3A, %swap3A_36, %swap3A_37] : memref<2x1000x64xf32, #tpu.memory_space<vmem>>, vector<1x1000x64xf32>
    %swap3A_39 = vector.shape_cast %swap3A_38 : vector<1x1000x64xf32> to vector<1000x64xf32>
    %swap3A_40 = vector.shape_cast %slice3A : vector<1000x64xf32> to vector<1x1000x64xf32>
    tpu.vector_store %arg6[%swap3A, %swap3A_36, %swap3A_37], %swap3A_40 {strides = array<i32>} : memref<2x1000x64xf32, #tpu.memory_space<vmem>>, vector<1x1000x64xf32>,
    %slice3A_41 = vector.extract_strided_slice %max3A_35 {offsets = [0, 64], sizes = [1000, 64], strides = [1, 1]} : vector<1000x128xf32> to vector<1000x64xf32>
    %swap3A_42 = arith.constant 1 : index
    %swap3A_43 = arith.constant 0 : index
    %swap3A_44 = arith.constant 0 : index
    %swap3A_45 = vector.load %arg6[%swap3A_42, %swap3A_43, %swap3A_44] : memref<2x1000x64xf32, #tpu.memory_space<vmem>>, vector<1x1000x64xf32>
    %swap3A_46 = vector.shape_cast %swap3A_45 : vector<1x1000x64xf32> to vector<1000x64xf32>
    %swap3A_47 = vector.shape_cast %slice3A_41 : vector<1000x64xf32> to vector<1x1000x64xf32>
    tpu.vector_store %arg6[%swap3A_42, %swap3A_43, %swap3A_44], %swap3A_47 {strides = array<i32>} : memref<2x1000x64xf32, #tpu.memory_space<vmem>>, vector<1x1000x64xf32>,
    return
  }
  func.func @transform_0(%arg0: i32) -> (i32, i32, i32) {
    %c0_i32 = arith.constant 0 : i32
    %c0_i32_0 = arith.constant 0 : i32
    %c0_i32_1 = arith.constant 0 : i32
    return %c0_i32, %arg0, %c0_i32_0 : i32, i32, i32
  }
  func.func @transform_1(%arg0: i32) -> (i32, i32, i32) {
    %c0_i32 = arith.constant 0 : i32
    %c0_i32_0 = arith.constant 0 : i32
    %c0_i32_1 = arith.constant 0 : i32
    return %c0_i32, %arg0, %c0_i32_0 : i32, i32, i32
  }
  func.func @transform_2(%arg0: i32) -> (i32, i32) {
    %c0_i32 = arith.constant 0 : i32
    %c0_i32_0 = arith.constant 0 : i32
    %c0_i32_1 = arith.constant 0 : i32
    return %c0_i32, %c0_i32_0 : i32, i32
  }
  func.func @transform_3(%arg0: i32) -> (i32, i32) {
    %c0_i32 = arith.constant 0 : i32
    %c0_i32_0 = arith.constant 0 : i32
    %c0_i32_1 = arith.constant 0 : i32
    return %c0_i32, %c0_i32_0 : i32, i32
  }
  func.func @transform_4(%arg0: i32) -> (i32, i32) {
    %c0_i32 = arith.constant 0 : i32
    %c0_i32_0 = arith.constant 0 : i32
    %c0_i32_1 = arith.constant 0 : i32
    return %c0_i32, %c0_i32_0 : i32, i32
  }
  func.func @transform_5(%arg0: i32) -> (i32, i32, i32) {
    %c0_i32 = arith.constant 0 : i32
    %c0_i32_0 = arith.constant 0 : i32
    %c0_i32_1 = arith.constant 0 : i32
    return %c0_i32, %arg0, %c0_i32_0 : i32, i32, i32
  }
}

</mosaic_0001>

<sc_bundles>
// kernel: kernel.6.cloned.1.call-start
scs
__scs_entry_jumppad:
0x0: {  	(pc) =	sbr.rel $0x88, $3  }
0x1: {  	(tag) =	ssettag $0x0;
	lr =	simm.s32 $0x1  }
0x2: {  	[smem:$0x3F99] =	sst lr;
	_ =	strace $0xD0000000  }
0x3: {  	_ = 	snop  }
0x4: {  	_ = 	snop  }
0x5: {  	_ = 	snop  }
0x6: {  	_ = 	snop  }
0x7: {  	_ = 	snop  }
__scs_overlays_trampoline_lowered:
0x8: {  	[smem:$0x3FA8] =	sst s0  }
0x9: {  	[smem:$0x3FA9] =	sst s1  }
0xa: {  	[smem:$0x3FAA] =	sst s2  }
0xb: {  	[smem:$0x3FAB] =	sst s3  }
0xc: {  	[smem:$0x3FAC] =	sst s4  }
0xd: {  	[smem:$0x3FAD] =	sst s5  }
0xe: {  	[smem:$0x3FAE] =	sst s6  }
0xf: {  	[smem:$0x3FAF] =	sst s7  }
0x10: {  	[smem:$0x3FB0] =	sst s8  }
0x11: {  	[smem:$0x3FB1] =	sst s9;
	s0 =	simm.s32 @!p0 $0x0  }
0x12: {  	s1 =	sld [smem:$0x3F97];
	s0 =	simm.s32 @p0 $0x1  }
0x13: {  	[smem:$0x3FB2] =	sst s0;
	s0 =	simm.s32 @!p1 $0x0  }
0x14: {  	s2 =	sld [smem:$0x3F96];
	s0 =	simm.s32 @p1 $0x1  }
0x15: {  	[smem:$0x3FB3] =	sst s0;
	s0 =	simm.s32 @!p2 $0x0  }
0x16: {  	s3 =	sld [smem:$0x3FDB];
	s0 =	simm.s32 @p2 $0x1  }
0x17: {  	s4 =	simm.s32 $0x1BF5;
	[smem:$0x3FB5] =	sst s0  }
0x18: {  	s0 =	sld [smem:$0x3F98];
	_ =	swait.ge [sflag:s4], $0x0  }
0x19: {  	s7 =	sld [smem:$0x3F99]  }
0x1a: {  	s8 =	sadd.s32 $0xFFFFE003, lr  }
0x1b: {  	s9 =	sadd.s32 $0xFFFFFEF7, lr;
	s5 =	simm.s32 $0xFFFFFFFF;
	p2 =	slt.u32 s8, $0xFFFFF086  }
0x1c: {  	p1 =	slt.u32 s9, $0xF7A;
	s5 =	simm.s32 @!p2 $0x0  }
0x1d: {  	s5 =	simm.s32 @p1 $0x1;
	p0 =	seq.s32 s7, s2  }
0x1e: {  	s7 =	smul.u32 @!p0 $0xF7A, s2;
	p2 =	seq.s32 @!p0 s5, $0x0  }
0x1f: {  	s9 =	smul.u32 $0xF7A, s1;
	s8 =	simm.s32 @!p0 $0x1BF5;
	p2 =	por !p2, p0  }
0x20: {  	[sflag:s8] =	ssyncset.s32 @!p0 $0xFFFFF086;
	s6 =	sadd.s32 @!p0 s3, s7;
	s7 =	simm.s32 @!p0 $0x108  }
0x21: {  	s3 =	sadd.s32 s3, s9;
	s6 =	sadd.s32 @!p0 $0x88, s6;
	s7 =	simm.s32 @p2 $0x1082  }
0x22: {  	[simem:s7], [sflag:s8] =	dma.local @!p0 [hbm:s6], $0xF7A  }
0x23: {  	s9 =	sor.u32 $0xD0000000, s2;
	s6 =	simm.s32 $0x108;
	_ =	swait.ge @!p0 [sflag:s8], $0x0  }
0x24: {  	s3 =	sadd.s32 $0x88, s3;
	s6 =	simm.s32 @!p1 $0x1082;
	[sflag:s4] =	ssyncset.s32 $0xFFFFF086  }
0x25: {  	[simem:s6], [sflag:s4] =	dma.local [hbm:s3], $0xF7A  }
0x26: {  	[smem:$0x3F99] =	sst s1;
	(tag) =	ssettag s2;
	_ =	strace s9  }
0x27: {  	s1 =	sld [smem:$0x3FA9]  }
0x28: {  	s2 =	sld [smem:$0x3FAA]  }
0x29: {  	s4 =	sld [smem:$0x3FAC]  }
0x2a: {  	p0 =	seq.s32 s5, $0x0;
	s5 =	sld [smem:$0x3FAD]  }
0x2b: {  	s6 =	sld [smem:$0x3FAE]  }
0x2c: {  	s7 =	sld [smem:$0x3FAF]  }
0x2d: {  	s3 =	simm.s32 $0x108;
	s8 =	sld [smem:$0x3FB0]  }
0x2e: {  	s3 =	simm.s32 @!p0 $0x1082;
	s9 =	sld [smem:$0x3FB1]  }
0x2f: {  	lr =	sadd.s32 s0, s3;
	s0 =	sld [smem:$0x3FA8]  }
0x30: {  	s3 =	sld [smem:$0x3FAB]  }
0x31: {  	[smem:$0x3FB4] =	sst s10  }
0x32: {  	s10 =	sld [smem:$0x3FB2];
	_ =	sdelay $0x3  }
0x33: {  	p0 =	seq.s32 s10, $0x1;
	s10 =	sld [smem:$0x3FB4];
	_ =	sdelay $0x3  }
0x34: {  	[smem:$0x3FB4] =	sst s10  }
0x35: {  	s10 =	sld [smem:$0x3FB3];
	_ =	sdelay $0x3  }
0x36: {  	p1 =	seq.s32 s10, $0x1;
	s10 =	sld [smem:$0x3FB4];
	_ =	sdelay $0x3  }
0x37: {  	[smem:$0x3FB4] =	sst s10  }
0x38: {  	s10 =	sld [smem:$0x3FB5]  }
0x39: {  	_ = 	snop;
	(pc) =	sbr.ind lr, $3  }
0x3a: {  	_ = 	snop  }
0x3b: {  	_ = 	snop  }
0x3c: {  	p2 =	seq.s32 s10, $0x1;
	s10 =	sld [smem:$0x3FB4]  }
0x3d: {  	_ =	shalt  }
0x3e: {  	_ =	shalt  }
0x3f: {  	_ =	shalt  }
0x40: {  	_ =	shalt  }
0x41: {  	_ =	shalt  }
0x42: {  	_ =	shalt  }
0x43: {  	_ =	shalt  }
0x44: {  	_ =	shalt  }
0x45: {  	_ =	shalt  }
0x46: {  	_ =	shalt  }
0x47: {  	_ =	shalt  }
0x48: {  	_ =	shalt  }
0x49: {  	_ =	shalt  }
0x4a: {  	_ =	shalt  }
0x4b: {  	_ =	shalt  }
0x4c: {  	_ =	shalt  }
0x4d: {  	_ =	shalt  }
0x4e: {  	_ =	shalt  }
0x4f: {  	_ =	shalt  }
0x50: {  	_ =	shalt  }
0x51: {  	_ =	shalt  }
0x52: {  	_ =	shalt  }
0x53: {  	_ =	shalt  }
0x54: {  	_ =	shalt  }
0x55: {  	_ =	shalt  }
0x56: {  	_ =	shalt  }
0x57: {  	_ =	shalt  }
0x58: {  	_ =	shalt  }
0x59: {  	_ =	shalt  }
0x5a: {  	_ =	shalt  }
0x5b: {  	_ =	shalt  }
0x5c: {  	_ =	shalt  }
0x5d: {  	_ =	shalt  }
0x5e: {  	_ =	shalt  }
0x5f: {  	_ =	shalt  }
0x60: {  	_ =	shalt  }
0x61: {  	_ =	shalt  }
0x62: {  	_ =	shalt  }
0x63: {  	_ =	shalt  }
0x64: {  	_ =	shalt  }
0x65: {  	_ =	shalt  }
0x66: {  	_ =	shalt  }
0x67: {  	_ =	shalt  }
0x68: {  	_ =	shalt  }
0x69: {  	_ =	shalt  }
0x6a: {  	_ =	shalt  }
0x6b: {  	_ =	shalt  }
0x6c: {  	_ =	shalt  }
0x6d: {  	_ =	shalt  }
0x6e: {  	_ =	shalt  }
0x6f: {  	_ =	shalt  }
0x70: {  	_ =	shalt  }
0x71: {  	_ =	shalt  }
0x72: {  	_ =	shalt  }
0x73: {  	_ =	shalt  }
0x74: {  	_ =	shalt  }
0x75: {  	_ =	shalt  }
0x76: {  	_ =	shalt  }
0x77: {  	_ =	shalt  }
0x78: {  	_ =	shalt  }
0x79: {  	_ =	shalt  }
0x7a: {  	_ =	shalt  }
0x7b: {  	_ =	shalt  }
0x7c: {  	_ =	shalt  }
0x7d: {  	_ =	shalt  }
0x7e: {  	_ =	shalt  }
0x7f: {  	_ =	shalt  }
0x80: {  	_ =	shalt  }
0x81: {  	_ =	shalt  }
0x82: {  	_ =	shalt  }
0x83: {  	_ =	shalt  }
0x84: {  	_ =	shalt  }
0x85: {  	_ =	shalt  }
0x86: {  	_ =	shalt  }
0x87: {  	_ =	shalt  }
.Lfunc_end0:
.L_simem_size_0:
called_computation_lowered:
.L_overlay_start_0:
0x88: {  	s2 =	sld [smem:$0x3FD9]  }
0x89: {  	s3 =	sld [smem:$0x3FFE];
	_ =	sdelay $0x1  }
0x8a: {  	s1 =	srdreg.scid  }
0x8b: {  	s0 =	sand.u32 $0x1, s1  }
0x8c: {  	s17 =	sshll.u32 s0, $0xA;
	s2 =	sadd.s32 s3, s2  }
0x8d: {  	s2 =	sadd.s32 s2, s17  }
0x8e: {  	[smem:$0x3FC0] =	sst s2  }
0x8f: {  	_ = 	snop  }
0x90: {  	s2 =	sld [smem:$0x3FD0];
	(tm) =	ssettm $0x1  }
0x91: {  	s18 =	sld [smem:$0x3FFB];
	_ =	sdelay $0x3  }
0x92: {  	_ =	strace s18  }
0x93: {  	s3 =	sld [smem:$0x3FFC];
	_ =	sdelay $0x3  }
0x94: {  	_ =	strace s3  }
0x95: {  	s3 =	sld [smem:$0x3FFD];
	_ =	sdelay $0x3  }
0x96: {  	_ =	strace s3  }
0x97: {  	_ =	strace $0x8FFFFFFF  }
0x98: {  	s19 =	sld [smem:$0x3FDB];
	_ =	sdelay $0x1  }
0x99: {  	s4 =	simm.s32 $_scs_section_size  }
0x9a: {  	s5 =	simm.s32 $_size__tile_overlayer_lowered;
	s6 =	simm.s32 $_tile_overlayer_lowered  }
0x9b: {  	s22 =	simm.s32 $0x1BFF;
	s21 =	sshll.u32 s6, $0x1;
	s3 =	sadd.s32 s4, s19  }
0x9c: {  	s7 =	simm.s32 $0x0;
	s20 =	sshll.u32 s5, $0x1;
	s5 =	sadd.s32 s21, s3  }
0x9d: {  	[timem:s7], [sflag:s22] =	dma.local [hbm:s5], s20  }
0x9e: {  	_ =	swait.ge [sflag:s22], s20  }
0x9f: {  	s4 =	ssub.s32 $0x0, s20;
	[sflag:s22] =	ssyncset.done $0x0  }
0xa0: {  	[sflag:s22] =	ssyncadd.s32 s4;
	_ =	sdelay $0x1  }
0xa1: {  	s23 =	simm.s32 $0x1B8B  }
0xa2: {  	_ =	swait.ge [sflag:s23], $0x1  }
0xa3: {  	[sflag:s23] =	ssyncset.done $0x0  }
0xa4: {  	s25 =	simm.s32 $0x1B8E;
	s24 =	sld [smem:$0x3FFE];
	[sflag:s23] =	ssyncadd.s32 $0xFFFFFFFF  }
0xa5: {  	s26 =	simm.s32 $execute0_lowered;
	[smem:$0x3FD2] =	sst s25  }
0xa6: {  	s5 =	sshll.u32 s26, $0x1;
	_ =	strace $0x80000046;
	[dreg:$0x1] =	wrdreg $0xFFFFFFFF  }
0xa7: {  	s28 =	simm.s32 $_size_execute0_lowered;
	s3 =	sadd.s32 s3, s5;
	[dreg:$0x0] =	wrdreg $0x0  }
0xa8: {  	s5 =	sshll.u32 s28, $0x1;
	[dreg:$0x2] =	wrdreg s3  }
0xa9: {  	[dreg:$0x3] =	wrdreg s5  }
0xaa: {  	[dreg:$0x4] =	wrdreg $0xC0  }
0xab: {  	_ =	task [dreg:s7], $0x5FFFF  }
0xac: {  	[dreg:$0x1] =	wrdreg $0xFFFFFFFF  }
0xad: {  	[dreg:$0x0] =	wrdreg $0x60  }
0xae: {  	[dreg:$0x2] =	wrdreg s2  }
0xaf: {  	[dreg:$0x3] =	wrdreg s24  }
0xb0: {  	[dreg:$0x4] =	wrdreg $0x140000  }
0xb1: {  	[dreg:$0x5] =	wrdreg $0x9  }
0xb2: {  	_ =	task.clear_ibuf [dreg:s7], $0x6FFFF;
	_ =	strace $0x90000046  }
0xb3: {  	s29 =	simm.s32 $0x9;
	_ =	strace $0x80000048  }
0xb4: {  	_ =	swait.ge [sflag:s29], $0x1  }
0xb5: {  	[sflag:s29] =	ssyncadd.s32 $0xFFFFFFFF  }
0xb6: {  	_ =	strace $0x90000048  }
0xb7: {  	_ =	sfence  }
0xb8: {  	s30 =	sld [smem:$0x0];
	_ =	sdelay $0x2  }
0xb9: {  	s31 =	sshll.u32 s1, $0xD;
	s1 =	sshrl.u32 s1, $0x2  }
0xba: {  	s3 =	sand.u32 $0x4000, s31;
	s1 =	sadd.s32 s1, s30  }
0xbb: {  	s0 =	sor.u32 s3, s0;
	s1 =	sshll.u32 s1, $0x11  }
0xbc: {  	s0 =	sor.u32 s1, s0  }
0xbd: {  	s0 =	sadd.s32 $0x8F2B, s0  }
0xbe: {  	[sflag:s0] =	ssyncadd.remote.s32 $0x1  }
0xbf: {  	_ =	sfence.sel $0xFFFF  }
0xc0: {  	[dreg:$0x0] =	wrdreg $0xFFFFFFFF;
	(pc) =	sbr.abs _section_cstart, $3  }
0xc1: {  	[dreg:$0x1] =	wrdreg $0xFFFFFFFF  }
0xc2: {  	_ =	task.clear_ibuf [dreg:s7], $0x2FFFF;
	_ =	strace $0x9FFFFFFF  }
0xc3: {  	(tm) =	ssettm $0x7FFFFFFF  }
tec
execute0_lowered:
.L_overlay_start_1:
0x0: {  	(tag) =	ssettag $0x1  }
0x1: {  	s0 =	rddreg [dreg:$0x0]  }
0x2: {  	s1 =	rddreg [dreg:$0x1]  }
0x3: {  	s2 =	rddreg [dreg:$0x2]  }
0x4: {  	s3 =	simm.s32 $0x0;
	s16 =	stileid.u32;
	s5 =	srdreg.scid  }
0x5: {  	s17 =	simm.s32 $0x80;
	s18 =	simm.s32 $0xA000;
	s19 =	simm.s32 $0xC000  }
0x6: {  	s21 =	simm.s32 $0xE000;
	s23 =	simm.s32 $0x10000;
	s24 =	simm.s32 $0x12000  }
0x7: {  	s28 =	simm.s32 $0x3;
	s29 =	simm.s32 $0x4;
	s4 =	smul.u32 $0xA00, s16  }
0x8: {  	s31 =	simm.s32 $0x9E80;
	s20 =	simm.s32 $0x0;
	s7 =	smul.u32 $0x28000, s16  }
0x9: {  	[smem:$0x7FF] =	sst s3;
	s5 =	sand.u32 $0x1, s5;
	s11 =	smul.u32 $0xA000, s16  }
0xa: {  	p0 =	seq.s32 s16, $0xF;
	s16 =	simm.s32 $0x9F80;
	_ =	strace $0x80000047  }
0xb: {  	s25 =	ssub.s32 $0x2, s5;
	s10 =	smul.u32 $0x9C400, s5;
	s6 =	sadd.s32 s4, s1  }
0xc: {  	s1 =	sadd.s32 $0x63600, s1;
	s26 =	sshrl.u32 s25, $0x1;
	s8 =	sshrl.u32 s7, $0x2  }
0xd: {  	s7 =	sadd.s32 s11, s2;
	s14 =	ssub.s32 s25, s26;
	s4 =	sadd.s32 $0x4F600, s6  }
0xe: {  	s5 =	sadd.s32 $0x59600, s6;
	s12 =	sshrl.u32 s10, $0x3;
	s30 =	sadd.s32 s8, s2  }
0xf: {  	s11 =	sadd.s32 s11, s10;
	s25 =	simm.s32 $0x1;
	s26 =	simm.s32 $0x2  }
0x10: {  	s6 =	sadd.s32 s0, s12;
	s8 =	sadd.s32 $0x2000, s30;
	s9 =	sadd.s32 $0x4000, s30  }
0x11: {  	s10 =	sadd.s32 $0x6000, s30;
	s13 =	sshrl.u32 s11, $0x3;
	s15 =	sadd.s32 s1, s12  }
0x12: {  	s11 =	sadd.s32 $0x8000, s30;
	s14 =	smax.u32 s14, $0x1;
	s0 =	simm.s32 $0x9F00  }
0x13: {  	v0 =	vimm.f32 $0.0e+00;
	s12 =	sadd.s32 s1, s13;
	s13 =	sadd.s32 $0x12C00, s15;
	s15 =	simm.s32 $0x5  }
.LBB2_1:
0x14: {  	[tilespmem:s3], [sflag:$0x5] =	stream.linear.gather [hbm4b:s4+s3], $0x5000, $0x38;
	[tilespmem:$0x1E000] =	vst v63  }
0x15: {  	_ =	swait.ge [sflag:s15], $0x5000  }
0x16: {  	[sflag:s15] =	ssyncset.done $0x0  }
0x17: {  	s1 =	simm.s32 $0x5000;
	[sflag:s15] =	ssyncadd.s32 $0xFFFFB000  }
0x18: {  	[tilespmem:s1], [sflag:$0x5] =	stream.linear.gather [hbm4b:s5+s3], $0x5000, $0x38;
	[tilespmem:$0x1E000] =	vst v63  }
0x19: {  	_ =	swait.ge [sflag:s15], $0x5000  }
0x1a: {  	[sflag:s15] =	ssyncset.done $0x0  }
0x1b: {  	s22 =	simm.s32 $0x100;
	s1 =	simm.s32 $0x0;
	[sflag:s15] =	ssyncadd.s32 $0xFFFFB000  }
.LBB2_2:
0x1c: {  	p1 =	sne.s32 s22, $0x7F00;
	[tilespmem:s1+$0x12030] =	vst v0;
	s30 =	smov.u32 s22;
	s22 =	sadd.s32 $0x100, s22  }
.Ltmp0:
0x1d: {  	[tilespmem:s1+$0x12020] =	vst v0;
	(pc) =	sbr.rel @p1 .LBB2_2-.Ltmp0, $3  }
0x1e: {  	[tilespmem:s1+$0x12000] =	vst v0  }
0x1f: {  	[tilespmem:s1+$0x12010] =	vst v0;
	_ =	sdelay $0x1  }
0x20: {  	s1 =	sshra.s32 s30, $0x2  }
0x21: {  	[tilespmem:s1+$0x12030] =	vst v0  }
0x22: {  	[tilespmem:s1+$0x12020] =	vst v0  }
0x23: {  	[tilespmem:s1+$0x12000] =	vst v0  }
0x24: {  	[tilespmem:s1+$0x12010] =	vst v0;
	s22 =	simm.s32 $0x0  }
0x25: {  	[tilespmem:s18], [sflag:$0x1] =	stream.indirect.gather [hbm4b:s6+s17], $0x40, s22, s17, $0xb8;
	[tilespmem:$0x1E000] =	vst v63  }
0x26: {  	_ = 	snop  }
0x27: {  	[tilespmem:s19], [sflag:$0x2] =	stream.indirect.gather [hbm4b:s6+s17], $0x40, s17, s17, $0xb8;
	[tilespmem:$0x1E000] =	vst v63  }
0x28: {  	s30 =	simm.s32 $0x100  }
0x29: {  	[tilespmem:s21], [sflag:$0x3] =	stream.indirect.gather [hbm4b:s6+s17], $0x40, s30, s17, $0xb8;
	[tilespmem:$0x1E000] =	vst v63  }
0x2a: {  	s22 =	simm.s32 $0x180  }
0x2b: {  	[tilespmem:s23], [sflag:$0x4] =	stream.indirect.gather [hbm4b:s6+s17], $0x40, s22, s17, $0xb8;
	[tilespmem:$0x1E000] =	vst v63  }
0x2c: {  	_ = 	snop  }
0x2d: {  	[spmem:s7] =	stream.linear.scatter [tilespmem:s24], [sflag:$0x5], $0x2000, $0x38;
	[tilespmem:$0x1E000] =	vst v63  }
0x2e: {  	_ =	swait.ge [sflag:s15], $0x2000  }
0x2f: {  	[sflag:s15] =	ssyncset.done $0x0  }
0x30: {  	[sflag:s15] =	ssyncadd.s32 $0xFFFFE000  }
0x31: {  	[spmem:s8] =	stream.linear.scatter [tilespmem:s24], [sflag:$0x5], $0x2000, $0x38;
	[tilespmem:$0x1E000] =	vst v63  }
0x32: {  	_ =	swait.ge [sflag:s15], $0x2000  }
0x33: {  	[sflag:s15] =	ssyncset.done $0x0  }
0x34: {  	[sflag:s15] =	ssyncadd.s32 $0xFFFFE000  }
0x35: {  	[spmem:s9] =	stream.linear.scatter [tilespmem:s24], [sflag:$0x5], $0x2000, $0x38;
	[tilespmem:$0x1E000] =	vst v63  }
0x36: {  	_ =	swait.ge [sflag:s15], $0x2000  }
0x37: {  	[sflag:s15] =	ssyncset.done $0x0  }
0x38: {  	[sflag:s15] =	ssyncadd.s32 $0xFFFFE000  }
0x39: {  	[spmem:s10] =	stream.linear.scatter [tilespmem:s24], [sflag:$0x5], $0x2000, $0x38;
	[tilespmem:$0x1E000] =	vst v63  }
0x3a: {  	_ =	swait.ge [sflag:s15], $0x2000  }
0x3b: {  	[sflag:s15] =	ssyncset.done $0x0  }
0x3c: {  	[sflag:s15] =	ssyncadd.s32 $0xFFFFE000  }
0x3d: {  	[spmem:s11] =	stream.linear.scatter [tilespmem:s24], [sflag:$0x5], $0x2000, $0x38;
	[tilespmem:$0x1E000] =	vst v63  }
0x3e: {  	_ =	swait.ge [sflag:s15], $0x2000  }
0x3f: {  	[sflag:s15] =	ssyncset.done $0x0  }
0x40: {  	[sflag:s15] =	ssyncadd.s32 $0xFFFFE000  }
0x41: {  	[bflag:$0x0] =	sbarrier.arrive $0xFFFF  }
0x42: {  	_ =	swait.ge [sflag:s25], $0x2000  }
0x43: {  	[sflag:s25] =	ssyncset.done $0x0  }
0x44: {  	s30 =	simm.s32 $0x5000;
	[sflag:s25] =	ssyncadd.s32 $0xFFFFE000  }
0x45: {  	[spmem:s2] =	stream.indirect.scatter.add.f32 [tilespmem:s18], [sflag:$0x5], $0x40, s30, s17, $0xb8;
	[tilespmem:$0x1E000] =	vst v63  }
0x46: {  	_ =	swait.ge [sflag:s15], $0x2000  }
0x47: {  	[sflag:s15] =	ssyncset.done $0x0  }
0x48: {  	s22 =	simm.s32 $0x200;
	[sflag:s15] =	ssyncadd.s32 $0xFFFFE000  }
0x49: {  	[tilespmem:s18], [sflag:$0x1] =	stream.indirect.gather [hbm4b:s6+s17], $0x40, s22, s17, $0xb8;
	[tilespmem:$0x1E000] =	vst v63  }
0x4a: {  	_ =	swait.ge [sflag:s26], $0x2000  }
0x4b: {  	[sflag:s26] =	ssyncset.done $0x0  }
0x4c: {  	s30 =	simm.s32 $0x5080;
	[sflag:s26] =	ssyncadd.s32 $0xFFFFE000  }
0x4d: {  	[spmem:s2] =	stream.indirect.scatter.add.f32 [tilespmem:s19], [sflag:$0x5], $0x40, s30, s17, $0xb8;
	[tilespmem:$0x1E000] =	vst v63  }
0x4e: {  	_ =	swait.ge [sflag:s15], $0x2000  }
0x4f: {  	[sflag:s15] =	ssyncset.done $0x0  }
0x50: {  	s22 =	simm.s32 $0x280;
	[sflag:s15] =	ssyncadd.s32 $0xFFFFE000  }
0x51: {  	[tilespmem:s19], [sflag:$0x2] =	stream.indirect.gather [hbm4b:s6+s17], $0x40, s22, s17, $0xb8;
	[tilespmem:$0x1E000] =	vst v63  }
0x52: {  	_ =	swait.ge [sflag:s28], $0x2000  }
0x53: {  	[sflag:s28] =	ssyncset.done $0x0  }
0x54: {  	s30 =	simm.s32 $0x5100;
	[sflag:s28] =	ssyncadd.s32 $0xFFFFE000  }
0x55: {  	[spmem:s2] =	stream.indirect.scatter.add.f32 [tilespmem:s21], [sflag:$0x5], $0x40, s30, s17, $0xb8;
	[tilespmem:$0x1E000] =	vst v63  }
0x56: {  	_ =	swait.ge [sflag:s15], $0x2000  }
0x57: {  	[sflag:s15] =	ssyncset.done $0x0  }
0x58: {  	s22 =	simm.s32 $0x300;
	[sflag:s15] =	ssyncadd.s32 $0xFFFFE000  }
0x59: {  	[tilespmem:s21], [sflag:$0x3] =	stream.indirect.gather [hbm4b:s6+s17], $0x40, s22, s17, $0xb8;
	[tilespmem:$0x1E000] =	vst v63  }
0x5a: {  	_ =	swait.ge [sflag:s29], $0x2000  }
0x5b: {  	[sflag:s29] =	ssyncset.done $0x0  }
0x5c: {  	s30 =	simm.s32 $0x5180;
	[sflag:s29] =	ssyncadd.s32 $0xFFFFE000  }
0x5d: {  	[spmem:s2] =	stream.indirect.scatter.add.f32 [tilespmem:s23], [sflag:$0x5], $0x40, s30, s17, $0xb8;
	[tilespmem:$0x1E000] =	vst v63  }
0x5e: {  	_ =	swait.ge [sflag:s15], $0x2000  }
0x5f: {  	[sflag:s15] =	ssyncset.done $0x0  }
0x60: {  	s1 =	simm.s32 $0x800;
	s22 =	simm.s32 $0x380;
	[sflag:s15] =	ssyncadd.s32 $0xFFFFE000  }
.LBB2_4:
0x61: {  	[tilespmem:s23], [sflag:$0x4] =	stream.indirect.gather [hbm4b:s6+s17], $0x40, s22, s17, $0xb8;
	[tilespmem:$0x1E000] =	vst v63  }
0x62: {  	s22 =	smov.u32 s1  }
0x63: {  	p1 =	sne.s32 s1, $0x13000;
	s1 =	sadd.s32 $0x800, s1;
	_ =	swait.ge [sflag:s25], $0x2000  }
0x64: {  	s22 =	sshra.s32 s22, $0x2;
	[sflag:s25] =	ssyncset.done $0x0  }
0x65: {  	s30 =	sadd.s32 $0x5000, s22;
	[sflag:s25] =	ssyncadd.s32 $0xFFFFE000  }
0x66: {  	[spmem:s2] =	stream.indirect.scatter.add.f32 [tilespmem:s18], [sflag:$0x5], $0x40, s30, s17, $0xb8;
	[tilespmem:$0x1E000] =	vst v63  }
0x67: {  	_ =	swait.ge [sflag:s15], $0x2000  }
0x68: {  	[sflag:s15] =	ssyncset.done $0x0  }
0x69: {  	s30 =	sadd.s32 $0x200, s22;
	[sflag:s15] =	ssyncadd.s32 $0xFFFFE000  }
0x6a: {  	[tilespmem:s18], [sflag:$0x1] =	stream.indirect.gather [hbm4b:s6+s17], $0x40, s30, s17, $0xb8;
	[tilespmem:$0x1E000] =	vst v63  }
0x6b: {  	_ =	swait.ge [sflag:s26], $0x2000  }
0x6c: {  	[sflag:s26] =	ssyncset.done $0x0  }
0x6d: {  	s30 =	sadd.s32 $0x5080, s22;
	[sflag:s26] =	ssyncadd.s32 $0xFFFFE000  }
0x6e: {  	[spmem:s2] =	stream.indirect.scatter.add.f32 [tilespmem:s19], [sflag:$0x5], $0x40, s30, s17, $0xb8;
	[tilespmem:$0x1E000] =	vst v63  }
0x6f: {  	_ =	swait.ge [sflag:s15], $0x2000  }
0x70: {  	[sflag:s15] =	ssyncset.done $0x0  }
0x71: {  	s30 =	sadd.s32 $0x280, s22;
	[sflag:s15] =	ssyncadd.s32 $0xFFFFE000  }
0x72: {  	[tilespmem:s19], [sflag:$0x2] =	stream.indirect.gather [hbm4b:s6+s17], $0x40, s30, s17, $0xb8;
	[tilespmem:$0x1E000] =	vst v63  }
0x73: {  	_ =	swait.ge [sflag:s28], $0x2000  }
0x74: {  	[sflag:s28] =	ssyncset.done $0x0  }
0x75: {  	s30 =	sadd.s32 $0x5100, s22;
	[sflag:s28] =	ssyncadd.s32 $0xFFFFE000  }
0x76: {  	[spmem:s2] =	stream.indirect.scatter.add.f32 [tilespmem:s21], [sflag:$0x5], $0x40, s30, s17, $0xb8;
	[tilespmem:$0x1E000] =	vst v63  }
0x77: {  	_ =	swait.ge [sflag:s15], $0x2000  }
0x78: {  	[sflag:s15] =	ssyncset.done $0x0  }
0x79: {  	s30 =	sadd.s32 $0x300, s22;
	[sflag:s15] =	ssyncadd.s32 $0xFFFFE000  }
0x7a: {  	[tilespmem:s21], [sflag:$0x3] =	stream.indirect.gather [hbm4b:s6+s17], $0x40, s30, s17, $0xb8;
	[tilespmem:$0x1E000] =	vst v63  }
0x7b: {  	_ =	swait.ge [sflag:s29], $0x2000  }
0x7c: {  	[sflag:s29] =	ssyncset.done $0x0  }
.Ltmp1:
0x7d: {  	s30 =	sadd.s32 $0x5180, s22;
	[sflag:s29] =	ssyncadd.s32 $0xFFFFE000;
	(pc) =	sbr.rel @p1 .LBB2_4-.Ltmp1, $4  }
0x7e: {  	[spmem:s2] =	stream.indirect.scatter.add.f32 [tilespmem:s23], [sflag:$0x5], $0x40, s30, s17, $0xb8;
	[tilespmem:$0x1E000] =	vst v63  }
0x7f: {  	_ =	swait.ge [sflag:s15], $0x2000  }
0x80: {  	[sflag:s15] =	ssyncset.done $0x0  }
0x81: {  	s22 =	sadd.s32 $0x380, s22;
	[sflag:s15] =	ssyncadd.s32 $0xFFFFE000  }
0x82: {  	[tilespmem:s23], [sflag:$0x4] =	stream.indirect.gather [hbm4b:s6+s17], $0x40, s22, s17, $0xb8;
	[tilespmem:$0x1E000] =	vst v63  }
0x83: {  	_ =	swait.ge [sflag:s25], $0x2000  }
0x84: {  	[sflag:s25] =	ssyncset.done $0x0  }
0x85: {  	s1 =	simm.s32 $0x9E00;
	[sflag:s25] =	ssyncadd.s32 $0xFFFFE000  }
0x86: {  	[spmem:s2] =	stream.indirect.scatter.add.f32 [tilespmem:s18], [sflag:$0x5], $0x40, s1, s17, $0xb8;
	[tilespmem:$0x1E000] =	vst v63  }
0x87: {  	_ =	swait.ge [sflag:s15], $0x2000  }
0x88: {  	[sflag:s15] =	ssyncset.done $0x0  }
0x89: {  	[sflag:s15] =	ssyncadd.s32 $0xFFFFE000  }
0x8a: {  	_ =	swait.ge [sflag:s26], $0x2000  }
0x8b: {  	[sflag:s26] =	ssyncset.done $0x0  }
0x8c: {  	[sflag:s26] =	ssyncadd.s32 $0xFFFFE000  }
0x8d: {  	[spmem:s2] =	stream.indirect.scatter.add.f32 [tilespmem:s19], [sflag:$0x5], $0x40, s31, s17, $0xb8;
	[tilespmem:$0x1E000] =	vst v63  }
0x8e: {  	_ =	swait.ge [sflag:s15], $0x2000  }
0x8f: {  	[sflag:s15] =	ssyncset.done $0x0  }
0x90: {  	[sflag:s15] =	ssyncadd.s32 $0xFFFFE000  }
0x91: {  	_ =	swait.ge [sflag:s28], $0x2000  }
0x92: {  	[sflag:s28] =	ssyncset.done $0x0  }
0x93: {  	[sflag:s28] =	ssyncadd.s32 $0xFFFFE000  }
0x94: {  	[spmem:s2] =	stream.indirect.scatter.add.f32 [tilespmem:s21], [sflag:$0x5], $0x40, s0, s17, $0xb8;
	[tilespmem:$0x1E000] =	vst v63  }
0x95: {  	_ =	swait.ge [sflag:s15], $0x2000  }
0x96: {  	[sflag:s15] =	ssyncset.done $0x0  }
0x97: {  	[sflag:s15] =	ssyncadd.s32 $0xFFFFE000  }
0x98: {  	_ =	swait.ge [sflag:s29], $0x2000  }
0x99: {  	[sflag:s29] =	ssyncset.done $0x0  }
0x9a: {  	[sflag:s29] =	ssyncadd.s32 $0xFFFFE000  }
0x9b: {  	[spmem:s2] =	stream.indirect.scatter.add.f32 [tilespmem:s23], [sflag:$0x5], $0x40, s16, s17, $0xb8;
	[tilespmem:$0x1E000] =	vst v63  }
0x9c: {  	_ =	swait.ge [sflag:s15], $0x2000  }
0x9d: {  	[sflag:s15] =	ssyncset.done $0x0  }
0x9e: {  	[sflag:s15] =	ssyncadd.s32 $0xFFFFE000  }
0x9f: {  	s22 =	simm.s32 @p0 $0x1FC5;
	s1 =	sshrl.u32 @p0 s7, $0x3;
	[bflag:$0x0] =	sbarrier.arrive $0xFFFF  }
0xa0: {  	[hbm:s13], [sflag:s22] =	dma.local @p0 [spmem:s1], $0xC80  }
0xa1: {  	s1 =	simm.s32 @p0 $0x5  }
0xa2: {  	s20 =	sadd.s32 $0x1, s20;
	s22 =	stileid.u32;
	_ =	swait.ge @p0 [sflag:s1], $0xC80  }
0xa3: {  	p1 =	sne.s32 s20, s14;
	s22 =	sshll.u32 @!p0 s22, $0x6;
	[sflag:s1] =	ssyncset.done @p0 $0x0  }
0xa4: {  	[sflag:s1] =	ssyncadd.s32 @p0 $0xFFFFF380;
	s1 =	sor.u32 @!p0 $0x1C05, s22;
	s22 =	sshrl.u32 @!p0 s7, $0x3  }
0xa5: {  	[hbm:s12], [sflag:s1] =	dma.local @!p0 [spmem:s22], $0x1400  }
.Ltmp2:
0xa6: {  	_ = 	snop;
	(pc) =	sbr.rel @p1 .LBB2_1-.Ltmp2, $4  }
0xa7: {  	s1 =	simm.s32 @!p0 $0x5  }
0xa8: {  	_ =	swait.ge @!p0 [sflag:s1], $0x1400  }
0xa9: {  	[sflag:s1] =	ssyncset.done @!p0 $0x0  }
0xaa: {  	[sflag:s1] =	ssyncadd.s32 @!p0 $0xFFFFEC00  }
0xab: {  	_ =	sfence.sel $0x180000  }
0xac: {  	[bflag:$0x0] =	sbarrier.arrive $0xFFFF  }
0xad: {  	_ =	strace $0x90000047  }
0xae: {  	s0 =	stileid.u32;
	[bflag:$0x2] =	sbarrier.arrive $0xFFFF  }
0xaf: {  	p0 =	sne.s32 s0, $0x0;
	s0 =	rddreg [dreg:$0x3]  }
0xb0: {  	s0 =	sadd.s32 @!p0 $0x100000, s0  }
0xb1: {  	[sflag:s0] =	ssyncadd.tile.s32 @!p0 $0x1;
	_ =	shalt  }
.Lfunc_end2:
_tile_overlayer_lowered:
.L_overlay_start_2:
0xb2: {  	(tag) =	ssettag $0x2  }
0xb3: {  	s0 =	rddreg [dreg:$0x0];
	s2 =	stileid.u32  }
0xb4: {  	s1 =	rddreg [dreg:$0x1];
	p0 =	sne.s32 s2, $0x0  }
0xb5: {  	s3 =	rddreg [dreg:$0x2];
	[bflag:$0x3] =	sbarrier.arrive $0xFFFF;
	s2 =	simm.s32 @!p0 $0x1C05  }
0xb6: {  	[timem:s3], [sflag:s2] =	dma.local @!p0 [hbm:s0], s1  }
0xb7: {  	s0 =	simm.s32 @!p0 $0x5  }
0xb8: {  	_ =	swait.ge @!p0 [sflag:s0], s1  }
0xb9: {  	s1 =	ssub.s32 @!p0 $0x0, s1;
	[sflag:s0] =	ssyncset.done @!p0 $0x0  }
0xba: {  	[sflag:s0] =	ssyncadd.s32 @!p0 s1  }
0xbb: {  	[bflag:$0x3] =	sbarrier.arrive $0xFFFF  }
0xbc: {  	_ =	shalt  }

// kernel: kernel.9.cloned.1.call-start
scs
__scs_entry_jumppad:
0x0: {  	(pc) =	sbr.rel $0x88, $3  }
0x1: {  	(tag) =	ssettag $0x0;
	lr =	simm.s32 $0x1  }
0x2: {  	[smem:$0x3F99] =	sst lr;
	_ =	strace $0xD0000000  }
0x3: {  	_ = 	snop  }
0x4: {  	_ = 	snop  }
0x5: {  	_ = 	snop  }
0x6: {  	_ = 	snop  }
0x7: {  	_ = 	snop  }
__scs_overlays_trampoline_lowered:
0x8: {  	[smem:$0x3FA8] =	sst s0  }
0x9: {  	[smem:$0x3FA9] =	sst s1  }
0xa: {  	[smem:$0x3FAA] =	sst s2  }
0xb: {  	[smem:$0x3FAB] =	sst s3  }
0xc: {  	[smem:$0x3FAC] =	sst s4  }
0xd: {  	[smem:$0x3FAD] =	sst s5  }
0xe: {  	[smem:$0x3FAE] =	sst s6  }
0xf: {  	[smem:$0x3FAF] =	sst s7  }
0x10: {  	[smem:$0x3FB0] =	sst s8  }
0x11: {  	[smem:$0x3FB1] =	sst s9;
	s0 =	simm.s32 @!p0 $0x0  }
0x12: {  	s1 =	sld [smem:$0x3F97];
	s0 =	simm.s32 @p0 $0x1  }
0x13: {  	[smem:$0x3FB2] =	sst s0;
	s0 =	simm.s32 @!p1 $0x0  }
0x14: {  	s2 =	sld [smem:$0x3F96];
	s0 =	simm.s32 @p1 $0x1  }
0x15: {  	[smem:$0x3FB3] =	sst s0;
	s0 =	simm.s32 @!p2 $0x0  }
0x16: {  	s3 =	sld [smem:$0x3FDB];
	s0 =	simm.s32 @p2 $0x1  }
0x17: {  	s4 =	simm.s32 $0x1BF5;
	[smem:$0x3FB5] =	sst s0  }
0x18: {  	s0 =	sld [smem:$0x3F98];
	_ =	swait.ge [sflag:s4], $0x0  }
0x19: {  	s7 =	sld [smem:$0x3F99]  }
0x1a: {  	s8 =	sadd.s32 $0xFFFFE003, lr  }
0x1b: {  	s9 =	sadd.s32 $0xFFFFFEF7, lr;
	s5 =	simm.s32 $0xFFFFFFFF;
	p2 =	slt.u32 s8, $0xFFFFF086  }
0x1c: {  	p1 =	slt.u32 s9, $0xF7A;
	s5 =	simm.s32 @!p2 $0x0  }
0x1d: {  	s5 =	simm.s32 @p1 $0x1;
	p0 =	seq.s32 s7, s2  }
0x1e: {  	s7 =	smul.u32 @!p0 $0xF7A, s2;
	p2 =	seq.s32 @!p0 s5, $0x0  }
0x1f: {  	s9 =	smul.u32 $0xF7A, s1;
	s8 =	simm.s32 @!p0 $0x1BF5;
	p2 =	por !p2, p0  }
0x20: {  	[sflag:s8] =	ssyncset.s32 @!p0 $0xFFFFF086;
	s6 =	sadd.s32 @!p0 s3, s7;
	s7 =	simm.s32 @!p0 $0x108  }
0x21: {  	s3 =	sadd.s32 s3, s9;
	s6 =	sadd.s32 @!p0 $0x88, s6;
	s7 =	simm.s32 @p2 $0x1082  }
0x22: {  	[simem:s7], [sflag:s8] =	dma.local @!p0 [hbm:s6], $0xF7A  }
0x23: {  	s9 =	sor.u32 $0xD0000000, s2;
	s6 =	simm.s32 $0x108;
	_ =	swait.ge @!p0 [sflag:s8], $0x0  }
0x24: {  	s3 =	sadd.s32 $0x88, s3;
	s6 =	simm.s32 @!p1 $0x1082;
	[sflag:s4] =	ssyncset.s32 $0xFFFFF086  }
0x25: {  	[simem:s6], [sflag:s4] =	dma.local [hbm:s3], $0xF7A  }
0x26: {  	[smem:$0x3F99] =	sst s1;
	(tag) =	ssettag s2;
	_ =	strace s9  }
0x27: {  	s1 =	sld [smem:$0x3FA9]  }
0x28: {  	s2 =	sld [smem:$0x3FAA]  }
0x29: {  	s4 =	sld [smem:$0x3FAC]  }
0x2a: {  	p0 =	seq.s32 s5, $0x0;
	s5 =	sld [smem:$0x3FAD]  }
0x2b: {  	s6 =	sld [smem:$0x3FAE]  }
0x2c: {  	s7 =	sld [smem:$0x3FAF]  }
0x2d: {  	s3 =	simm.s32 $0x108;
	s8 =	sld [smem:$0x3FB0]  }
0x2e: {  	s3 =	simm.s32 @!p0 $0x1082;
	s9 =	sld [smem:$0x3FB1]  }
0x2f: {  	lr =	sadd.s32 s0, s3;
	s0 =	sld [smem:$0x3FA8]  }
0x30: {  	s3 =	sld [smem:$0x3FAB]  }
0x31: {  	[smem:$0x3FB4] =	sst s10  }
0x32: {  	s10 =	sld [smem:$0x3FB2];
	_ =	sdelay $0x3  }
0x33: {  	p0 =	seq.s32 s10, $0x1;
	s10 =	sld [smem:$0x3FB4];
	_ =	sdelay $0x3  }
0x34: {  	[smem:$0x3FB4] =	sst s10  }
0x35: {  	s10 =	sld [smem:$0x3FB3];
	_ =	sdelay $0x3  }
0x36: {  	p1 =	seq.s32 s10, $0x1;
	s10 =	sld [smem:$0x3FB4];
	_ =	sdelay $0x3  }
0x37: {  	[smem:$0x3FB4] =	sst s10  }
0x38: {  	s10 =	sld [smem:$0x3FB5]  }
0x39: {  	_ = 	snop;
	(pc) =	sbr.ind lr, $3  }
0x3a: {  	_ = 	snop  }
0x3b: {  	_ = 	snop  }
0x3c: {  	p2 =	seq.s32 s10, $0x1;
	s10 =	sld [smem:$0x3FB4]  }
0x3d: {  	_ =	shalt  }
0x3e: {  	_ =	shalt  }
0x3f: {  	_ =	shalt  }
0x40: {  	_ =	shalt  }
0x41: {  	_ =	shalt  }
0x42: {  	_ =	shalt  }
0x43: {  	_ =	shalt  }
0x44: {  	_ =	shalt  }
0x45: {  	_ =	shalt  }
0x46: {  	_ =	shalt  }
0x47: {  	_ =	shalt  }
0x48: {  	_ =	shalt  }
0x49: {  	_ =	shalt  }
0x4a: {  	_ =	shalt  }
0x4b: {  	_ =	shalt  }
0x4c: {  	_ =	shalt  }
0x4d: {  	_ =	shalt  }
0x4e: {  	_ =	shalt  }
0x4f: {  	_ =	shalt  }
0x50: {  	_ =	shalt  }
0x51: {  	_ =	shalt  }
0x52: {  	_ =	shalt  }
0x53: {  	_ =	shalt  }
0x54: {  	_ =	shalt  }
0x55: {  	_ =	shalt  }
0x56: {  	_ =	shalt  }
0x57: {  	_ =	shalt  }
0x58: {  	_ =	shalt  }
0x59: {  	_ =	shalt  }
0x5a: {  	_ =	shalt  }
0x5b: {  	_ =	shalt  }
0x5c: {  	_ =	shalt  }
0x5d: {  	_ =	shalt  }
0x5e: {  	_ =	shalt  }
0x5f: {  	_ =	shalt  }
0x60: {  	_ =	shalt  }
0x61: {  	_ =	shalt  }
0x62: {  	_ =	shalt  }
0x63: {  	_ =	shalt  }
0x64: {  	_ =	shalt  }
0x65: {  	_ =	shalt  }
0x66: {  	_ =	shalt  }
0x67: {  	_ =	shalt  }
0x68: {  	_ =	shalt  }
0x69: {  	_ =	shalt  }
0x6a: {  	_ =	shalt  }
0x6b: {  	_ =	shalt  }
0x6c: {  	_ =	shalt  }
0x6d: {  	_ =	shalt  }
0x6e: {  	_ =	shalt  }
0x6f: {  	_ =	shalt  }
0x70: {  	_ =	shalt  }
0x71: {  	_ =	shalt  }
0x72: {  	_ =	shalt  }
0x73: {  	_ =	shalt  }
0x74: {  	_ =	shalt  }
0x75: {  	_ =	shalt  }
0x76: {  	_ =	shalt  }
0x77: {  	_ =	shalt  }
0x78: {  	_ =	shalt  }
0x79: {  	_ =	shalt  }
0x7a: {  	_ =	shalt  }
0x7b: {  	_ =	shalt  }
0x7c: {  	_ =	shalt  }
0x7d: {  	_ =	shalt  }
0x7e: {  	_ =	shalt  }
0x7f: {  	_ =	shalt  }
0x80: {  	_ =	shalt  }
0x81: {  	_ =	shalt  }
0x82: {  	_ =	shalt  }
0x83: {  	_ =	shalt  }
0x84: {  	_ =	shalt  }
0x85: {  	_ =	shalt  }
0x86: {  	_ =	shalt  }
0x87: {  	_ =	shalt  }
.Lfunc_end0:
.L_simem_size_0:
called_computation.1_lowered:
.L_overlay_start_0:
0x88: {  	s2 =	sld [smem:$0x3FD9]  }
0x89: {  	s3 =	sld [smem:$0x3FFE];
	_ =	sdelay $0x1  }
0x8a: {  	s1 =	srdreg.scid  }
0x8b: {  	s0 =	sand.u32 $0x1, s1  }
0x8c: {  	s17 =	sshll.u32 s0, $0xA;
	s2 =	sadd.s32 s3, s2  }
0x8d: {  	s2 =	sadd.s32 s2, s17  }
0x8e: {  	[smem:$0x3FC0] =	sst s2  }
0x8f: {  	_ = 	snop  }
0x90: {  	s2 =	sld [smem:$0x3FD0];
	(tm) =	ssettm $0x1  }
0x91: {  	s18 =	sld [smem:$0x3FFB];
	_ =	sdelay $0x3  }
0x92: {  	_ =	strace s18  }
0x93: {  	s3 =	sld [smem:$0x3FFC];
	_ =	sdelay $0x3  }
0x94: {  	_ =	strace s3  }
0x95: {  	s3 =	sld [smem:$0x3FFD];
	_ =	sdelay $0x3  }
0x96: {  	_ =	strace s3  }
0x97: {  	_ =	strace $0x8FFFFFFF  }
0x98: {  	s19 =	sld [smem:$0x3FDB];
	_ =	sdelay $0x1  }
0x99: {  	s4 =	simm.s32 $_scs_section_size  }
0x9a: {  	s5 =	simm.s32 $_size__tile_overlayer_lowered;
	s6 =	simm.s32 $_tile_overlayer_lowered  }
0x9b: {  	s22 =	simm.s32 $0x1BFF;
	s21 =	sshll.u32 s6, $0x1;
	s3 =	sadd.s32 s4, s19  }
0x9c: {  	s7 =	simm.s32 $0x0;
	s20 =	sshll.u32 s5, $0x1;
	s5 =	sadd.s32 s21, s3  }
0x9d: {  	[timem:s7], [sflag:s22] =	dma.local [hbm:s5], s20  }
0x9e: {  	_ =	swait.ge [sflag:s22], s20  }
0x9f: {  	s4 =	ssub.s32 $0x0, s20;
	[sflag:s22] =	ssyncset.done $0x0  }
0xa0: {  	[sflag:s22] =	ssyncadd.s32 s4;
	_ =	sdelay $0x1  }
0xa1: {  	s23 =	simm.s32 $0x1B8B  }
0xa2: {  	_ =	swait.ge [sflag:s23], $0x1  }
0xa3: {  	[sflag:s23] =	ssyncset.done $0x0  }
0xa4: {  	s25 =	simm.s32 $0x1B8E;
	s24 =	sld [smem:$0x3FFE];
	[sflag:s23] =	ssyncadd.s32 $0xFFFFFFFF  }
0xa5: {  	s26 =	simm.s32 $execute0_lowered;
	[smem:$0x3FD2] =	sst s25  }
0xa6: {  	s5 =	sshll.u32 s26, $0x1;
	_ =	strace $0x80000049;
	[dreg:$0x1] =	wrdreg $0xFFFFFFFF  }
0xa7: {  	s28 =	simm.s32 $_size_execute0_lowered;
	s3 =	sadd.s32 s3, s5;
	[dreg:$0x0] =	wrdreg $0x0  }
0xa8: {  	s5 =	sshll.u32 s28, $0x1;
	[dreg:$0x2] =	wrdreg s3  }
0xa9: {  	[dreg:$0x3] =	wrdreg s5  }
0xaa: {  	[dreg:$0x4] =	wrdreg $0xC0  }
0xab: {  	_ =	task [dreg:s7], $0x5FFFF  }
0xac: {  	[dreg:$0x1] =	wrdreg $0xFFFFFFFF  }
0xad: {  	[dreg:$0x0] =	wrdreg $0x60  }
0xae: {  	[dreg:$0x2] =	wrdreg s2  }
0xaf: {  	[dreg:$0x3] =	wrdreg s24  }
0xb0: {  	[dreg:$0x4] =	wrdreg $0x140000  }
0xb1: {  	[dreg:$0x5] =	wrdreg $0x9  }
0xb2: {  	_ =	task.clear_ibuf [dreg:s7], $0x6FFFF;
	_ =	strace $0x90000049  }
0xb3: {  	s29 =	simm.s32 $0x9;
	_ =	strace $0x8000004B  }
0xb4: {  	_ =	swait.ge [sflag:s29], $0x1  }
0xb5: {  	[sflag:s29] =	ssyncadd.s32 $0xFFFFFFFF  }
0xb6: {  	_ =	strace $0x9000004B  }
0xb7: {  	_ =	sfence  }
0xb8: {  	s30 =	sld [smem:$0x0];
	_ =	sdelay $0x2  }
0xb9: {  	s31 =	sshll.u32 s1, $0xD;
	s1 =	sshrl.u32 s1, $0x2  }
0xba: {  	s3 =	sand.u32 $0x4000, s31;
	s1 =	sadd.s32 s1, s30  }
0xbb: {  	s0 =	sor.u32 s3, s0;
	s1 =	sshll.u32 s1, $0x11  }
0xbc: {  	s0 =	sor.u32 s1, s0  }
0xbd: {  	s0 =	sadd.s32 $0x8F2B, s0  }
0xbe: {  	[sflag:s0] =	ssyncadd.remote.s32 $0x1  }
0xbf: {  	_ =	sfence.sel $0xFFFF  }
0xc0: {  	[dreg:$0x0] =	wrdreg $0xFFFFFFFF;
	(pc) =	sbr.abs _section_cstart, $3  }
0xc1: {  	[dreg:$0x1] =	wrdreg $0xFFFFFFFF  }
0xc2: {  	_ =	task.clear_ibuf [dreg:s7], $0x2FFFF;
	_ =	strace $0x9FFFFFFF  }
0xc3: {  	(tm) =	ssettm $0x7FFFFFFF  }
tec
execute0_lowered:
.L_overlay_start_1:
0x0: {  	(tag) =	ssettag $0x1  }
0x1: {  	s0 =	rddreg [dreg:$0x0]  }
0x2: {  	s1 =	rddreg [dreg:$0x1]  }
0x3: {  	s2 =	rddreg [dreg:$0x2]  }
0x4: {  	s3 =	simm.s32 $0x0;
	s16 =	stileid.u32;
	s5 =	srdreg.scid  }
0x5: {  	s17 =	simm.s32 $0x80;
	s18 =	simm.s32 $0xA000;
	s19 =	simm.s32 $0xC000  }
0x6: {  	s21 =	simm.s32 $0xE000;
	s23 =	simm.s32 $0x10000;
	s24 =	simm.s32 $0x12000  }
0x7: {  	s28 =	simm.s32 $0x3;
	s29 =	simm.s32 $0x4;
	s4 =	smul.u32 $0xA00, s16  }
0x8: {  	s31 =	simm.s32 $0x9E80;
	s20 =	simm.s32 $0x0;
	s7 =	smul.u32 $0x28000, s16  }
0x9: {  	[smem:$0x7FF] =	sst s3;
	s5 =	sand.u32 $0x1, s5;
	s11 =	smul.u32 $0xA000, s16  }
0xa: {  	p0 =	seq.s32 s16, $0xF;
	s16 =	simm.s32 $0x9F80;
	_ =	strace $0x8000004A  }
0xb: {  	s25 =	ssub.s32 $0x2, s5;
	s10 =	smul.u32 $0x9C400, s5;
	s6 =	sadd.s32 s4, s1  }
0xc: {  	s1 =	sadd.s32 $0x1400, s1;
	s26 =	sshrl.u32 s25, $0x1;
	s8 =	sshrl.u32 s7, $0x2  }
0xd: {  	s7 =	sadd.s32 s11, s2;
	s14 =	ssub.s32 s25, s26;
	s4 =	sadd.s32 $0x4F600, s6  }
0xe: {  	s5 =	sadd.s32 $0x59600, s6;
	s12 =	sshrl.u32 s10, $0x3;
	s30 =	sadd.s32 s8, s2  }
0xf: {  	s11 =	sadd.s32 s11, s10;
	s25 =	simm.s32 $0x1;
	s26 =	simm.s32 $0x2  }
0x10: {  	s6 =	sadd.s32 s0, s12;
	s8 =	sadd.s32 $0x2000, s30;
	s9 =	sadd.s32 $0x4000, s30  }
0x11: {  	s10 =	sadd.s32 $0x6000, s30;
	s13 =	sshrl.u32 s11, $0x3;
	s15 =	sadd.s32 s1, s12  }
0x12: {  	s11 =	sadd.s32 $0x8000, s30;
	s14 =	smax.u32 s14, $0x1;
	s0 =	simm.s32 $0x9F00  }
0x13: {  	v0 =	vimm.f32 $0.0e+00;
	s12 =	sadd.s32 s1, s13;
	s13 =	sadd.s32 $0x12C00, s15;
	s15 =	simm.s32 $0x5  }
.LBB2_1:
0x14: {  	[tilespmem:s3], [sflag:$0x5] =	stream.linear.gather [hbm4b:s4+s3], $0x5000, $0x38;
	[tilespmem:$0x1E000] =	vst v63  }
0x15: {  	_ =	swait.ge [sflag:s15], $0x5000  }
0x16: {  	[sflag:s15] =	ssyncset.done $0x0  }
0x17: {  	s1 =	simm.s32 $0x5000;
	[sflag:s15] =	ssyncadd.s32 $0xFFFFB000  }
0x18: {  	[tilespmem:s1], [sflag:$0x5] =	stream.linear.gather [hbm4b:s5+s3], $0x5000, $0x38;
	[tilespmem:$0x1E000] =	vst v63  }
0x19: {  	_ =	swait.ge [sflag:s15], $0x5000  }
0x1a: {  	[sflag:s15] =	ssyncset.done $0x0  }
0x1b: {  	s22 =	simm.s32 $0x100;
	s1 =	simm.s32 $0x0;
	[sflag:s15] =	ssyncadd.s32 $0xFFFFB000  }
.LBB2_2:
0x1c: {  	p1 =	sne.s32 s22, $0x7F00;
	[tilespmem:s1+$0x12030] =	vst v0;
	s30 =	smov.u32 s22;
	s22 =	sadd.s32 $0x100, s22  }
.Ltmp0:
0x1d: {  	[tilespmem:s1+$0x12020] =	vst v0;
	(pc) =	sbr.rel @p1 .LBB2_2-.Ltmp0, $3  }
0x1e: {  	[tilespmem:s1+$0x12000] =	vst v0  }
0x1f: {  	[tilespmem:s1+$0x12010] =	vst v0;
	_ =	sdelay $0x1  }
0x20: {  	s1 =	sshra.s32 s30, $0x2  }
0x21: {  	[tilespmem:s1+$0x12030] =	vst v0  }
0x22: {  	[tilespmem:s1+$0x12020] =	vst v0  }
0x23: {  	[tilespmem:s1+$0x12000] =	vst v0  }
0x24: {  	[tilespmem:s1+$0x12010] =	vst v0;
	s22 =	simm.s32 $0x0  }
0x25: {  	[tilespmem:s18], [sflag:$0x1] =	stream.indirect.gather [hbm4b:s6+s17], $0x40, s22, s17, $0xb8;
	[tilespmem:$0x1E000] =	vst v63  }
0x26: {  	_ = 	snop  }
0x27: {  	[tilespmem:s19], [sflag:$0x2] =	stream.indirect.gather [hbm4b:s6+s17], $0x40, s17, s17, $0xb8;
	[tilespmem:$0x1E000] =	vst v63  }
0x28: {  	s30 =	simm.s32 $0x100  }
0x29: {  	[tilespmem:s21], [sflag:$0x3] =	stream.indirect.gather [hbm4b:s6+s17], $0x40, s30, s17, $0xb8;
	[tilespmem:$0x1E000] =	vst v63  }
0x2a: {  	s22 =	simm.s32 $0x180  }
0x2b: {  	[tilespmem:s23], [sflag:$0x4] =	stream.indirect.gather [hbm4b:s6+s17], $0x40, s22, s17, $0xb8;
	[tilespmem:$0x1E000] =	vst v63  }
0x2c: {  	_ = 	snop  }
0x2d: {  	[spmem:s7] =	stream.linear.scatter [tilespmem:s24], [sflag:$0x5], $0x2000, $0x38;
	[tilespmem:$0x1E000] =	vst v63  }
0x2e: {  	_ =	swait.ge [sflag:s15], $0x2000  }
0x2f: {  	[sflag:s15] =	ssyncset.done $0x0  }
0x30: {  	[sflag:s15] =	ssyncadd.s32 $0xFFFFE000  }
0x31: {  	[spmem:s8] =	stream.linear.scatter [tilespmem:s24], [sflag:$0x5], $0x2000, $0x38;
	[tilespmem:$0x1E000] =	vst v63  }
0x32: {  	_ =	swait.ge [sflag:s15], $0x2000  }
0x33: {  	[sflag:s15] =	ssyncset.done $0x0  }
0x34: {  	[sflag:s15] =	ssyncadd.s32 $0xFFFFE000  }
0x35: {  	[spmem:s9] =	stream.linear.scatter [tilespmem:s24], [sflag:$0x5], $0x2000, $0x38;
	[tilespmem:$0x1E000] =	vst v63  }
0x36: {  	_ =	swait.ge [sflag:s15], $0x2000  }
0x37: {  	[sflag:s15] =	ssyncset.done $0x0  }
0x38: {  	[sflag:s15] =	ssyncadd.s32 $0xFFFFE000  }
0x39: {  	[spmem:s10] =	stream.linear.scatter [tilespmem:s24], [sflag:$0x5], $0x2000, $0x38;
	[tilespmem:$0x1E000] =	vst v63  }
0x3a: {  	_ =	swait.ge [sflag:s15], $0x2000  }
0x3b: {  	[sflag:s15] =	ssyncset.done $0x0  }
0x3c: {  	[sflag:s15] =	ssyncadd.s32 $0xFFFFE000  }
0x3d: {  	[spmem:s11] =	stream.linear.scatter [tilespmem:s24], [sflag:$0x5], $0x2000, $0x38;
	[tilespmem:$0x1E000] =	vst v63  }
0x3e: {  	_ =	swait.ge [sflag:s15], $0x2000  }
0x3f: {  	[sflag:s15] =	ssyncset.done $0x0  }
0x40: {  	[sflag:s15] =	ssyncadd.s32 $0xFFFFE000  }
0x41: {  	[bflag:$0x0] =	sbarrier.arrive $0xFFFF  }
0x42: {  	_ =	swait.ge [sflag:s25], $0x2000  }
0x43: {  	[sflag:s25] =	ssyncset.done $0x0  }
0x44: {  	s30 =	simm.s32 $0x5000;
	[sflag:s25] =	ssyncadd.s32 $0xFFFFE000  }
0x45: {  	[spmem:s2] =	stream.indirect.scatter.add.f32 [tilespmem:s18], [sflag:$0x5], $0x40, s30, s17, $0xb8;
	[tilespmem:$0x1E000] =	vst v63  }
0x46: {  	_ =	swait.ge [sflag:s15], $0x2000  }
0x47: {  	[sflag:s15] =	ssyncset.done $0x0  }
0x48: {  	s22 =	simm.s32 $0x200;
	[sflag:s15] =	ssyncadd.s32 $0xFFFFE000  }
0x49: {  	[tilespmem:s18], [sflag:$0x1] =	stream.indirect.gather [hbm4b:s6+s17], $0x40, s22, s17, $0xb8;
	[tilespmem:$0x1E000] =	vst v63  }
0x4a: {  	_ =	swait.ge [sflag:s26], $0x2000  }
0x4b: {  	[sflag:s26] =	ssyncset.done $0x0  }
0x4c: {  	s30 =	simm.s32 $0x5080;
	[sflag:s26] =	ssyncadd.s32 $0xFFFFE000  }
0x4d: {  	[spmem:s2] =	stream.indirect.scatter.add.f32 [tilespmem:s19], [sflag:$0x5], $0x40, s30, s17, $0xb8;
	[tilespmem:$0x1E000] =	vst v63  }
0x4e: {  	_ =	swait.ge [sflag:s15], $0x2000  }
0x4f: {  	[sflag:s15] =	ssyncset.done $0x0  }
0x50: {  	s22 =	simm.s32 $0x280;
	[sflag:s15] =	ssyncadd.s32 $0xFFFFE000  }
0x51: {  	[tilespmem:s19], [sflag:$0x2] =	stream.indirect.gather [hbm4b:s6+s17], $0x40, s22, s17, $0xb8;
	[tilespmem:$0x1E000] =	vst v63  }
0x52: {  	_ =	swait.ge [sflag:s28], $0x2000  }
0x53: {  	[sflag:s28] =	ssyncset.done $0x0  }
0x54: {  	s30 =	simm.s32 $0x5100;
	[sflag:s28] =	ssyncadd.s32 $0xFFFFE000  }
0x55: {  	[spmem:s2] =	stream.indirect.scatter.add.f32 [tilespmem:s21], [sflag:$0x5], $0x40, s30, s17, $0xb8;
	[tilespmem:$0x1E000] =	vst v63  }
0x56: {  	_ =	swait.ge [sflag:s15], $0x2000  }
0x57: {  	[sflag:s15] =	ssyncset.done $0x0  }
0x58: {  	s22 =	simm.s32 $0x300;
	[sflag:s15] =	ssyncadd.s32 $0xFFFFE000  }
0x59: {  	[tilespmem:s21], [sflag:$0x3] =	stream.indirect.gather [hbm4b:s6+s17], $0x40, s22, s17, $0xb8;
	[tilespmem:$0x1E000] =	vst v63  }
0x5a: {  	_ =	swait.ge [sflag:s29], $0x2000  }
0x5b: {  	[sflag:s29] =	ssyncset.done $0x0  }
0x5c: {  	s30 =	simm.s32 $0x5180;
	[sflag:s29] =	ssyncadd.s32 $0xFFFFE000  }
0x5d: {  	[spmem:s2] =	stream.indirect.scatter.add.f32 [tilespmem:s23], [sflag:$0x5], $0x40, s30, s17, $0xb8;
	[tilespmem:$0x1E000] =	vst v63  }
0x5e: {  	_ =	swait.ge [sflag:s15], $0x2000  }
0x5f: {  	[sflag:s15] =	ssyncset.done $0x0  }
0x60: {  	s1 =	simm.s32 $0x800;
	s22 =	simm.s32 $0x380;
	[sflag:s15] =	ssyncadd.s32 $0xFFFFE000  }
.LBB2_4:
0x61: {  	[tilespmem:s23], [sflag:$0x4] =	stream.indirect.gather [hbm4b:s6+s17], $0x40, s22, s17, $0xb8;
	[tilespmem:$0x1E000] =	vst v63  }
0x62: {  	s22 =	smov.u32 s1  }
0x63: {  	p1 =	sne.s32 s1, $0x13000;
	s1 =	sadd.s32 $0x800, s1;
	_ =	swait.ge [sflag:s25], $0x2000  }
0x64: {  	s22 =	sshra.s32 s22, $0x2;
	[sflag:s25] =	ssyncset.done $0x0  }
0x65: {  	s30 =	sadd.s32 $0x5000, s22;
	[sflag:s25] =	ssyncadd.s32 $0xFFFFE000  }
0x66: {  	[spmem:s2] =	stream.indirect.scatter.add.f32 [tilespmem:s18], [sflag:$0x5], $0x40, s30, s17, $0xb8;
	[tilespmem:$0x1E000] =	vst v63  }
0x67: {  	_ =	swait.ge [sflag:s15], $0x2000  }
0x68: {  	[sflag:s15] =	ssyncset.done $0x0  }
0x69: {  	s30 =	sadd.s32 $0x200, s22;
	[sflag:s15] =	ssyncadd.s32 $0xFFFFE000  }
0x6a: {  	[tilespmem:s18], [sflag:$0x1] =	stream.indirect.gather [hbm4b:s6+s17], $0x40, s30, s17, $0xb8;
	[tilespmem:$0x1E000] =	vst v63  }
0x6b: {  	_ =	swait.ge [sflag:s26], $0x2000  }
0x6c: {  	[sflag:s26] =	ssyncset.done $0x0  }
0x6d: {  	s30 =	sadd.s32 $0x5080, s22;
	[sflag:s26] =	ssyncadd.s32 $0xFFFFE000  }
0x6e: {  	[spmem:s2] =	stream.indirect.scatter.add.f32 [tilespmem:s19], [sflag:$0x5], $0x40, s30, s17, $0xb8;
	[tilespmem:$0x1E000] =	vst v63  }
0x6f: {  	_ =	swait.ge [sflag:s15], $0x2000  }
0x70: {  	[sflag:s15] =	ssyncset.done $0x0  }
0x71: {  	s30 =	sadd.s32 $0x280, s22;
	[sflag:s15] =	ssyncadd.s32 $0xFFFFE000  }
0x72: {  	[tilespmem:s19], [sflag:$0x2] =	stream.indirect.gather [hbm4b:s6+s17], $0x40, s30, s17, $0xb8;
	[tilespmem:$0x1E000] =	vst v63  }
0x73: {  	_ =	swait.ge [sflag:s28], $0x2000  }
0x74: {  	[sflag:s28] =	ssyncset.done $0x0  }
0x75: {  	s30 =	sadd.s32 $0x5100, s22;
	[sflag:s28] =	ssyncadd.s32 $0xFFFFE000  }
0x76: {  	[spmem:s2] =	stream.indirect.scatter.add.f32 [tilespmem:s21], [sflag:$0x5], $0x40, s30, s17, $0xb8;
	[tilespmem:$0x1E000] =	vst v63  }
0x77: {  	_ =	swait.ge [sflag:s15], $0x2000  }
0x78: {  	[sflag:s15] =	ssyncset.done $0x0  }
0x79: {  	s30 =	sadd.s32 $0x300, s22;
	[sflag:s15] =	ssyncadd.s32 $0xFFFFE000  }
0x7a: {  	[tilespmem:s21], [sflag:$0x3] =	stream.indirect.gather [hbm4b:s6+s17], $0x40, s30, s17, $0xb8;
	[tilespmem:$0x1E000] =	vst v63  }
0x7b: {  	_ =	swait.ge [sflag:s29], $0x2000  }
0x7c: {  	[sflag:s29] =	ssyncset.done $0x0  }
.Ltmp1:
0x7d: {  	s30 =	sadd.s32 $0x5180, s22;
	[sflag:s29] =	ssyncadd.s32 $0xFFFFE000;
	(pc) =	sbr.rel @p1 .LBB2_4-.Ltmp1, $4  }
0x7e: {  	[spmem:s2] =	stream.indirect.scatter.add.f32 [tilespmem:s23], [sflag:$0x5], $0x40, s30, s17, $0xb8;
	[tilespmem:$0x1E000] =	vst v63  }
0x7f: {  	_ =	swait.ge [sflag:s15], $0x2000  }
0x80: {  	[sflag:s15] =	ssyncset.done $0x0  }
0x81: {  	s22 =	sadd.s32 $0x380, s22;
	[sflag:s15] =	ssyncadd.s32 $0xFFFFE000  }
0x82: {  	[tilespmem:s23], [sflag:$0x4] =	stream.indirect.gather [hbm4b:s6+s17], $0x40, s22, s17, $0xb8;
	[tilespmem:$0x1E000] =	vst v63  }
0x83: {  	_ =	swait.ge [sflag:s25], $0x2000  }
0x84: {  	[sflag:s25] =	ssyncset.done $0x0  }
0x85: {  	s1 =	simm.s32 $0x9E00;
	[sflag:s25] =	ssyncadd.s32 $0xFFFFE000  }
0x86: {  	[spmem:s2] =	stream.indirect.scatter.add.f32 [tilespmem:s18], [sflag:$0x5], $0x40, s1, s17, $0xb8;
	[tilespmem:$0x1E000] =	vst v63  }
0x87: {  	_ =	swait.ge [sflag:s15], $0x2000  }
0x88: {  	[sflag:s15] =	ssyncset.done $0x0  }
0x89: {  	[sflag:s15] =	ssyncadd.s32 $0xFFFFE000  }
0x8a: {  	_ =	swait.ge [sflag:s26], $0x2000  }
0x8b: {  	[sflag:s26] =	ssyncset.done $0x0  }
0x8c: {  	[sflag:s26] =	ssyncadd.s32 $0xFFFFE000  }
0x8d: {  	[spmem:s2] =	stream.indirect.scatter.add.f32 [tilespmem:s19], [sflag:$0x5], $0x40, s31, s17, $0xb8;
	[tilespmem:$0x1E000] =	vst v63  }
0x8e: {  	_ =	swait.ge [sflag:s15], $0x2000  }
0x8f: {  	[sflag:s15] =	ssyncset.done $0x0  }
0x90: {  	[sflag:s15] =	ssyncadd.s32 $0xFFFFE000  }
0x91: {  	_ =	swait.ge [sflag:s28], $0x2000  }
0x92: {  	[sflag:s28] =	ssyncset.done $0x0  }
0x93: {  	[sflag:s28] =	ssyncadd.s32 $0xFFFFE000  }
0x94: {  	[spmem:s2] =	stream.indirect.scatter.add.f32 [tilespmem:s21], [sflag:$0x5], $0x40, s0, s17, $0xb8;
	[tilespmem:$0x1E000] =	vst v63  }
0x95: {  	_ =	swait.ge [sflag:s15], $0x2000  }
0x96: {  	[sflag:s15] =	ssyncset.done $0x0  }
0x97: {  	[sflag:s15] =	ssyncadd.s32 $0xFFFFE000  }
0x98: {  	_ =	swait.ge [sflag:s29], $0x2000  }
0x99: {  	[sflag:s29] =	ssyncset.done $0x0  }
0x9a: {  	[sflag:s29] =	ssyncadd.s32 $0xFFFFE000  }
0x9b: {  	[spmem:s2] =	stream.indirect.scatter.add.f32 [tilespmem:s23], [sflag:$0x5], $0x40, s16, s17, $0xb8;
	[tilespmem:$0x1E000] =	vst v63  }
0x9c: {  	_ =	swait.ge [sflag:s15], $0x2000  }
0x9d: {  	[sflag:s15] =	ssyncset.done $0x0  }
0x9e: {  	[sflag:s15] =	ssyncadd.s32 $0xFFFFE000  }
0x9f: {  	s22 =	simm.s32 @p0 $0x1FC5;
	s1 =	sshrl.u32 @p0 s7, $0x3;
	[bflag:$0x0] =	sbarrier.arrive $0xFFFF  }
0xa0: {  	[hbm:s13], [sflag:s22] =	dma.local @p0 [spmem:s1], $0xC80  }
0xa1: {  	s1 =	simm.s32 @p0 $0x5  }
0xa2: {  	s20 =	sadd.s32 $0x1, s20;
	s22 =	stileid.u32;
	_ =	swait.ge @p0 [sflag:s1], $0xC80  }
0xa3: {  	p1 =	sne.s32 s20, s14;
	s22 =	sshll.u32 @!p0 s22, $0x6;
	[sflag:s1] =	ssyncset.done @p0 $0x0  }
0xa4: {  	[sflag:s1] =	ssyncadd.s32 @p0 $0xFFFFF380;
	s1 =	sor.u32 @!p0 $0x1C05, s22;
	s22 =	sshrl.u32 @!p0 s7, $0x3  }
0xa5: {  	[hbm:s12], [sflag:s1] =	dma.local @!p0 [spmem:s22], $0x1400  }
.Ltmp2:
0xa6: {  	_ = 	snop;
	(pc) =	sbr.rel @p1 .LBB2_1-.Ltmp2, $4  }
0xa7: {  	s1 =	simm.s32 @!p0 $0x5  }
0xa8: {  	_ =	swait.ge @!p0 [sflag:s1], $0x1400  }
0xa9: {  	[sflag:s1] =	ssyncset.done @!p0 $0x0  }
0xaa: {  	[sflag:s1] =	ssyncadd.s32 @!p0 $0xFFFFEC00  }
0xab: {  	_ =	sfence.sel $0x180000  }
0xac: {  	[bflag:$0x0] =	sbarrier.arrive $0xFFFF  }
0xad: {  	_ =	strace $0x9000004A  }
0xae: {  	s0 =	stileid.u32;
	[bflag:$0x2] =	sbarrier.arrive $0xFFFF  }
0xaf: {  	p0 =	sne.s32 s0, $0x0;
	s0 =	rddreg [dreg:$0x3]  }
0xb0: {  	s0 =	sadd.s32 @!p0 $0x100000, s0  }
0xb1: {  	[sflag:s0] =	ssyncadd.tile.s32 @!p0 $0x1;
	_ =	shalt  }
.Lfunc_end2:
_tile_overlayer_lowered:
.L_overlay_start_2:
0xb2: {  	(tag) =	ssettag $0x2  }
0xb3: {  	s0 =	rddreg [dreg:$0x0];
	s2 =	stileid.u32  }
0xb4: {  	s1 =	rddreg [dreg:$0x1];
	p0 =	sne.s32 s2, $0x0  }
0xb5: {  	s3 =	rddreg [dreg:$0x2];
	[bflag:$0x3] =	sbarrier.arrive $0xFFFF;
	s2 =	simm.s32 @!p0 $0x1C05  }
0xb6: {  	[timem:s3], [sflag:s2] =	dma.local @!p0 [hbm:s0], s1  }
0xb7: {  	s0 =	simm.s32 @!p0 $0x5  }
0xb8: {  	_ =	swait.ge @!p0 [sflag:s0], s1  }
0xb9: {  	s1 =	ssub.s32 @!p0 $0x0, s1;
	[sflag:s0] =	ssyncset.done @!p0 $0x0  }
0xba: {  	[sflag:s0] =	ssyncadd.s32 @!p0 s1  }
0xbb: {  	[bflag:$0x3] =	sbarrier.arrive $0xFFFF  }
0xbc: {  	_ =	shalt  }

</sc_bundles>
